<compile_context>
chip_gen: v7x
topology: tpu7x:2x2x1
jax: 0.10.2.dev20260603
libtpu: 0.0.44.dev20260713+nightly
codegen_flags: <defaults>
</compile_context>

<pallas_src>
import functools

import jax
import jax.numpy as jnp
from jax import lax
from jax.experimental import pallas as pl
from jax.experimental.pallas import tpu as pltpu
from jax.experimental.pallas import tpu_sc as plsc

F = 26
B = 16384
D = 32
V = 2600000
TOTAL = B * F
NC = 2
NS = 16
NW = NC * NS

PER_W = TOTAL // NW
CHUNK = 3328
NCH = PER_W // CHUNK
NV = CHUNK // 16
NG = NW * NCH

VR = V // 4
NT_FULL = V // 128
T_LAST = NT_FULL - 1
NI = 636
TAILR = V - NT_FULL * 128


def _relayout_tile(tsrc, tstage, iota16):
    @plsc.parallel_loop(0, 32, unroll=8)
    def _row(R):
        for L0 in range(0, 128, 16):
            d_vec = iota16 + (L0 % 32)
            rl_vec = jnp.full((16,), L0 // 32, jnp.int32) + 4 * R
            tstage[R, pl.ds(L0, 16)] = plsc.load_gather(tsrc, [d_vec, rl_vec])


def _k1_body(tT_hbm, tail_hbm, out_hbm, tsrc0, tsrc1, tst0, tst1, si0, si1, so0, so1):
    wid = lax.axis_index("s") * NC + lax.axis_index("c")
    iota16 = lax.iota(jnp.int32, 16)
    tsrc = (tsrc0, tsrc1)
    tst = (tst0, tst1)
    sin = (si0, si1)
    sout = (so0, so1)

    def tile_of(i):
        return jnp.minimum(wid + 32 * i, T_LAST)

    def issue_in(i, b):
        t = tile_of(i)
        pltpu.async_copy(
            tT_hbm.at[:, pl.ds(128 * t, 128)], tsrc[b], sin[b]
        )

    def wait_in(b):
        pltpu.make_async_copy(
            tT_hbm.at[:, pl.ds(0, 128)], tsrc[b], sin[b]
        ).wait()

    def issue_out(i, b):
        t = tile_of(i)
        pltpu.async_copy(tst[b], out_hbm.at[pl.ds(32 * t, 32)], sout[b])

    def wait_out(b):
        pltpu.make_async_copy(
            tst[b], out_hbm.at[pl.ds(0, 32)], sout[b]
        ).wait()

    issue_in(0, 0)
    issue_in(1, 1)
    for b in (0, 1):
        wait_in(b)
        _relayout_tile(tsrc[b], tst[b], iota16)
        issue_out(b, b)
        issue_in(b + 2, b)

    def pair_body(j):
        for b in (0, 1):
            i = 2 * j + b
            wait_in(b)
            wait_out(b)
            _relayout_tile(tsrc[b], tst[b], iota16)
            issue_out(i, b)
            issue_in(i + 2, b)

    pl.loop(1, NI // 2)(pair_body)

    for b in (0, 1):
        wait_in(b)
        wait_out(b)

    @pl.when(wid == 0)
    def _tail():
        pltpu.sync_copy(tail_hbm, out_hbm.at[pl.ds(32 * NT_FULL, TAILR // 4)])


@jax.jit
def _relayout_call(tableT, tail16):
    mesh = plsc.VectorSubcoreMesh(
        core_axis_name="c", subcore_axis_name="s", num_cores=NC, num_subcores=NS
    )
    return pl.kernel(
        _k1_body,
        out_type=jax.ShapeDtypeStruct((VR, 128), jnp.float32),
        mesh=mesh,
        scratch_types=[
            pltpu.VMEM((32, 128), jnp.float32),
            pltpu.VMEM((32, 128), jnp.float32),
            pltpu.VMEM((32, 128), jnp.float32),
            pltpu.VMEM((32, 128), jnp.float32),
            pltpu.SemaphoreType.DMA,
            pltpu.SemaphoreType.DMA,
            pltpu.SemaphoreType.DMA,
            pltpu.SemaphoreType.DMA,
        ],
        compiler_params=pltpu.CompilerParams(
            use_tc_tiling_on_sc=True, needs_layout_passes=False
        ),
    )(tableT, tail16)


def _emb_body(x_hbm, off_hbm, table_hbm, out_hbm, obuf, xbuf, rows, sem):
    wid = lax.axis_index("s") * NC + lax.axis_index("c")
    pltpu.sync_copy(off_hbm, obuf)

    def chunk_body(c):
        g = wid * NCH + c
        pltpu.sync_copy(x_hbm.at[g], xbuf)
        for v in range(NV):
            sl = pl.ds(v * 16, 16)
            xbuf[sl] = xbuf[sl] + obuf[sl]
        pltpu.async_copy(table_hbm.at[xbuf], rows, sem).wait()
        pltpu.sync_copy(rows, out_hbm.at[g])

    pl.loop(0, NCH)(chunk_body)


@jax.jit
def _emb_call(x2, off1, table):
    mesh = plsc.VectorSubcoreMesh(
        core_axis_name="c", subcore_axis_name="s", num_cores=NC, num_subcores=NS
    )
    return pl.kernel(
        _emb_body,
        out_type=jax.ShapeDtypeStruct((NG, CHUNK, D), jnp.float32),
        mesh=mesh,
        scratch_types=[
            pltpu.VMEM((CHUNK,), jnp.int32),
            pltpu.VMEM((CHUNK,), jnp.int32),
            pltpu.VMEM((CHUNK, D), jnp.float32),
            pltpu.SemaphoreType.DMA,
        ],
        compiler_params=pltpu.CompilerParams(use_tc_tiling_on_sc=False),
    )(x2, off1, table)


def kernel(x, table, offsets):
    tail16 = table[V - TAILR:, :].reshape(TAILR // 4, 128)
    t128 = _relayout_call(table.T, tail16)
    tableR = t128.reshape(V, D)
    x2 = x.reshape(NG, CHUNK)
    off1 = jnp.tile(offsets, CHUNK // F)
    out = _emb_call(x2, off1, tableR)
    return out.reshape(B, F * D)

# --- scband reference (transcript-rebuilt; emitter-appended) ---
"""Pipeline reference for scband-feature-embedding-39633958207541 (READ-ONLY COPY).

The authoritative reference and input builder live on the scoring server;
editing this copy changes nothing except your own understanding.
"""

import jax, jax.numpy as jnp
import numpy as np

NUM_FEATURES = [100000] * 26
EMB_DIM = 32
TOTAL_EMBEDDINGS = sum(NUM_FEATURES)  # 2,600,000
BATCH = 16384


def setup_inputs(seed: int = 0) -> dict:
    key = jax.random.key(seed)
    k1, k2 = jax.random.split(key)
    x = jax.random.randint(k1, (BATCH, len(NUM_FEATURES)), 0, 100000, dtype=jnp.int32)
    # torch.nn.Embedding default init: N(0, 1)
    table = jax.random.normal(k2, (TOTAL_EMBEDDINGS, EMB_DIM), dtype=jnp.float32)
    offsets = jnp.cumsum(jnp.array([0] + NUM_FEATURES[:-1], dtype=jnp.int32))
    return {"x": x, "table": table, "offsets": offsets}


def reference(x, table, offsets):
    # x: int[B, F]; add per-feature offsets into the fused embedding table
    idx = x + offsets[None, :]
    emb = jnp.take(table, idx, axis=0)  # [B, F, EMB_DIM]
    # all embedding sizes equal -> need_slice is False; just flatten
    return emb.reshape(x.shape[0], -1)  # [B, F * EMB_DIM]

if __name__ == "__main__":
    import jax
    _d = setup_inputs()
    print(jax.jit(kernel)(*tuple(_d.values())))

</pallas_src>

<mosaic_0001>
#map = affine_map<(d0, d1) -> (0, 0)>
module attributes {stable_mosaic.version = 14 : i64} {
  func.func @_k1_body(%arg0: i32, %arg1: i32, %arg2: memref<32x2600000xf32, #tpu.memory_space<hbm>>, %arg3: memref<16x128xf32, #tpu.memory_space<hbm>>, %arg4: memref<650000x128xf32, #tpu.memory_space<hbm>>, %arg5: memref<32x128xf32, #tpu.memory_space<vmem>>, %arg6: memref<32x128xf32, #tpu.memory_space<vmem>>, %arg7: memref<32x128xf32, #tpu.memory_space<vmem>>, %arg8: memref<32x128xf32, #tpu.memory_space<vmem>>, %arg9: memref<!tpu.dma_semaphore, #tpu.memory_space<semaphore_mem>>, %arg10: memref<!tpu.dma_semaphore, #tpu.memory_space<semaphore_mem>>, %arg11: memref<!tpu.dma_semaphore, #tpu.memory_space<semaphore_mem>>, %arg12: memref<!tpu.dma_semaphore, #tpu.memory_space<semaphore_mem>>) attributes {dimension_semantics = [#tpu.dimension_semantics<core_parallel>, #tpu.dimension_semantics<subcore_parallel>], iteration_bounds = array<i64: 2, 16>, scalar_prefetch = 0 : i64, scratch_operands = 8 : i64, tpu.core_type = #tpu.core_type<sc_vector_subcore>, window_params = [{transform_indices = #map}, {transform_indices = #map}, {transform_indices = #map}]} {
    %mul3A = arith.constant 2 : i32
    %mul3A_0 = arith.muli %arg1, %mul3A : i32
    %add3A = arith.addi %mul3A_0, %arg0 : i32
    %iota3A = tpu.iota {dimensions = array<i32: 0>} : vector<16xi32>
    %add3A_1 = arith.constant 0 : i32
    %add3A_2 = arith.addi %add3A, %add3A_1 : i32
    %min3A = arith.constant 20311 : i32
    %min3A_3 = arith.minsi %add3A_2, %min3A : i32
    %mul3A_4 = arith.constant 128 : i32
    %mul3A_5 = arith.muli %mul3A_4, %min3A_3 : i32
    %dma_start3A = arith.constant 0 : i32
    %dma_start3A_6 = tpu.memref_slice %arg2[%dma_start3A, %mul3A_5] : memref<32x2600000xf32, #tpu.memory_space<hbm>> -> memref<32x128xf32, #tpu.memory_space<hbm>>
    %dma_start3A_7 = arith.constant 0 : i32
    %dma_start3A_8 = tpu.memref_slice %arg2[%dma_start3A_7, %mul3A_5] : memref<32x2600000xf32, #tpu.memory_space<hbm>> -> memref<32x128xf32, #tpu.memory_space<hbm>>
    tpu.enqueue_dma source(%dma_start3A_8 : memref<32x128xf32, #tpu.memory_space<hbm>>) target(%arg5 : memref<32x128xf32, #tpu.memory_space<vmem>>) target_semaphore(%arg9 : memref<!tpu.dma_semaphore, #tpu.memory_space<semaphore_mem>>)
    %add3A_9 = arith.constant 32 : i32
    %add3A_10 = arith.addi %add3A, %add3A_9 : i32
    %min3A_11 = arith.constant 20311 : i32
    %min3A_12 = arith.minsi %add3A_10, %min3A_11 : i32
    %mul3A_13 = arith.constant 128 : i32
    %mul3A_14 = arith.muli %mul3A_13, %min3A_12 : i32
    %dma_start3A_15 = arith.constant 0 : i32
    %dma_start3A_16 = tpu.memref_slice %arg2[%dma_start3A_15, %mul3A_14] : memref<32x2600000xf32, #tpu.memory_space<hbm>> -> memref<32x128xf32, #tpu.memory_space<hbm>>
    %dma_start3A_17 = arith.constant 0 : i32
    %dma_start3A_18 = tpu.memref_slice %arg2[%dma_start3A_17, %mul3A_14] : memref<32x2600000xf32, #tpu.memory_space<hbm>> -> memref<32x128xf32, #tpu.memory_space<hbm>>
    tpu.enqueue_dma source(%dma_start3A_18 : memref<32x128xf32, #tpu.memory_space<hbm>>) target(%arg6 : memref<32x128xf32, #tpu.memory_space<vmem>>) target_semaphore(%arg10 : memref<!tpu.dma_semaphore, #tpu.memory_space<semaphore_mem>>)
    %dma_wait3A = arith.constant 0 : i32
    %dma_wait3A_19 = arith.constant 0 : i32
    %dma_wait3A_20 = tpu.memref_slice %arg2[%dma_wait3A, %dma_wait3A_19] : memref<32x2600000xf32, #tpu.memory_space<hbm>> -> memref<32x128xf32, #tpu.memory_space<hbm>>
    %dma_wait3A_21 = arith.constant 0 : i32
    %dma_wait3A_22 = arith.constant 0 : i32
    %dma_wait3A_23 = tpu.memref_slice %arg2[%dma_wait3A_21, %dma_wait3A_22] : memref<32x2600000xf32, #tpu.memory_space<hbm>> -> memref<32x128xf32, #tpu.memory_space<hbm>>
    tpu.wait_dma2 semaphore(%arg9 : memref<!tpu.dma_semaphore, #tpu.memory_space<semaphore_mem>>) src(%dma_wait3A_23 : memref<32x128xf32, #tpu.memory_space<hbm>>) dst(%arg5 : memref<32x128xf32, #tpu.memory_space<vmem>>)
    %parallel_loop3A = arith.constant 0 : i32
    %parallel_loop3A_24 = arith.constant 32 : i32
    %parallel_loop3A_25 = arith.constant 1 : i32
    scf.for %parallel_loop3A_105 = %parallel_loop3A to %parallel_loop3A_24 step %parallel_loop3A_25  : i32 {
      %parallel_loop3A_106 = arith.constant 0 : i32
      %parallel_loop3A_107 = vector.broadcast %parallel_loop3A_106 : i32 to vector<16xi32>
      %parallel_loop3A_108 = arith.addi %iota3A, %parallel_loop3A_107 : vector<16xi32>
      %parallel_loop3A_109 = arith.constant 0 : i32
      %parallel_loop3A_110 = vector.broadcast %parallel_loop3A_109 : i32 to vector<16xi32>
      %parallel_loop3A_111 = arith.constant 4 : i32
      %parallel_loop3A_112 = arith.muli %parallel_loop3A_111, %parallel_loop3A_105 : i32
      %parallel_loop3A_113 = vector.broadcast %parallel_loop3A_112 : i32 to vector<16xi32>
      %parallel_loop3A_114 = arith.addi %parallel_loop3A_110, %parallel_loop3A_113 : vector<16xi32>
      %parallel_loop3A_115 = tpu.vector_load_idx %arg5[%parallel_loop3A_108, %parallel_loop3A_114] : memref<32x128xf32, #tpu.memory_space<vmem>>[vector<16xi32>, vector<16xi32>], vector<16xf32>,
      %parallel_loop3A_116 = arith.index_cast %parallel_loop3A_105 : i32 to index
      %parallel_loop3A_117 = arith.constant 0 : index
      %parallel_loop3A_118 = tpu.vector_load %arg7[%parallel_loop3A_116, %parallel_loop3A_117] {strides = array<i32>} : memref<32x128xf32, #tpu.memory_space<vmem>>, vector<16xf32>,
      tpu.vector_store %arg7[%parallel_loop3A_116, %parallel_loop3A_117], %parallel_loop3A_115 {strides = array<i32>} : memref<32x128xf32, #tpu.memory_space<vmem>>, vector<16xf32>,
      %parallel_loop3A_119 = arith.constant 16 : i32
      %parallel_loop3A_120 = vector.broadcast %parallel_loop3A_119 : i32 to vector<16xi32>
      %parallel_loop3A_121 = arith.addi %iota3A, %parallel_loop3A_120 : vector<16xi32>
      %parallel_loop3A_122 = arith.constant 0 : i32
      %parallel_loop3A_123 = vector.broadcast %parallel_loop3A_122 : i32 to vector<16xi32>
      %parallel_loop3A_124 = arith.constant 4 : i32
      %parallel_loop3A_125 = arith.muli %parallel_loop3A_124, %parallel_loop3A_105 : i32
      %parallel_loop3A_126 = vector.broadcast %parallel_loop3A_125 : i32 to vector<16xi32>
      %parallel_loop3A_127 = arith.addi %parallel_loop3A_123, %parallel_loop3A_126 : vector<16xi32>
      %parallel_loop3A_128 = tpu.vector_load_idx %arg5[%parallel_loop3A_121, %parallel_loop3A_127] : memref<32x128xf32, #tpu.memory_space<vmem>>[vector<16xi32>, vector<16xi32>], vector<16xf32>,
      %parallel_loop3A_129 = arith.index_cast %parallel_loop3A_105 : i32 to index
      %parallel_loop3A_130 = arith.constant 16 : index
      %parallel_loop3A_131 = tpu.vector_load %arg7[%parallel_loop3A_129, %parallel_loop3A_130] {strides = array<i32>} : memref<32x128xf32, #tpu.memory_space<vmem>>, vector<16xf32>,
      tpu.vector_store %arg7[%parallel_loop3A_129, %parallel_loop3A_130], %parallel_loop3A_128 {strides = array<i32>} : memref<32x128xf32, #tpu.memory_space<vmem>>, vector<16xf32>,
      %parallel_loop3A_132 = arith.constant 0 : i32
      %parallel_loop3A_133 = vector.broadcast %parallel_loop3A_132 : i32 to vector<16xi32>
      %parallel_loop3A_134 = arith.addi %iota3A, %parallel_loop3A_133 : vector<16xi32>
      %parallel_loop3A_135 = arith.constant 1 : i32
      %parallel_loop3A_136 = vector.broadcast %parallel_loop3A_135 : i32 to vector<16xi32>
      %parallel_loop3A_137 = arith.constant 4 : i32
      %parallel_loop3A_138 = arith.muli %parallel_loop3A_137, %parallel_loop3A_105 : i32
      %parallel_loop3A_139 = vector.broadcast %parallel_loop3A_138 : i32 to vector<16xi32>
      %parallel_loop3A_140 = arith.addi %parallel_loop3A_136, %parallel_loop3A_139 : vector<16xi32>
      %parallel_loop3A_141 = tpu.vector_load_idx %arg5[%parallel_loop3A_134, %parallel_loop3A_140] : memref<32x128xf32, #tpu.memory_space<vmem>>[vector<16xi32>, vector<16xi32>], vector<16xf32>,
      %parallel_loop3A_142 = arith.index_cast %parallel_loop3A_105 : i32 to index
      %parallel_loop3A_143 = arith.constant 32 : index
      %parallel_loop3A_144 = tpu.vector_load %arg7[%parallel_loop3A_142, %parallel_loop3A_143] {strides = array<i32>} : memref<32x128xf32, #tpu.memory_space<vmem>>, vector<16xf32>,
      tpu.vector_store %arg7[%parallel_loop3A_142, %parallel_loop3A_143], %parallel_loop3A_141 {strides = array<i32>} : memref<32x128xf32, #tpu.memory_space<vmem>>, vector<16xf32>,
      %parallel_loop3A_145 = arith.constant 16 : i32
      %parallel_loop3A_146 = vector.broadcast %parallel_loop3A_145 : i32 to vector<16xi32>
      %parallel_loop3A_147 = arith.addi %iota3A, %parallel_loop3A_146 : vector<16xi32>
      %parallel_loop3A_148 = arith.constant 1 : i32
      %parallel_loop3A_149 = vector.broadcast %parallel_loop3A_148 : i32 to vector<16xi32>
      %parallel_loop3A_150 = arith.constant 4 : i32
      %parallel_loop3A_151 = arith.muli %parallel_loop3A_150, %parallel_loop3A_105 : i32
      %parallel_loop3A_152 = vector.broadcast %parallel_loop3A_151 : i32 to vector<16xi32>
      %parallel_loop3A_153 = arith.addi %parallel_loop3A_149, %parallel_loop3A_152 : vector<16xi32>
      %parallel_loop3A_154 = tpu.vector_load_idx %arg5[%parallel_loop3A_147, %parallel_loop3A_153] : memref<32x128xf32, #tpu.memory_space<vmem>>[vector<16xi32>, vector<16xi32>], vector<16xf32>,
      %parallel_loop3A_155 = arith.index_cast %parallel_loop3A_105 : i32 to index
      %parallel_loop3A_156 = arith.constant 48 : index
      %parallel_loop3A_157 = tpu.vector_load %arg7[%parallel_loop3A_155, %parallel_loop3A_156] {strides = array<i32>} : memref<32x128xf32, #tpu.memory_space<vmem>>, vector<16xf32>,
      tpu.vector_store %arg7[%parallel_loop3A_155, %parallel_loop3A_156], %parallel_loop3A_154 {strides = array<i32>} : memref<32x128xf32, #tpu.memory_space<vmem>>, vector<16xf32>,
      %parallel_loop3A_158 = arith.constant 0 : i32
      %parallel_loop3A_159 = vector.broadcast %parallel_loop3A_158 : i32 to vector<16xi32>
      %parallel_loop3A_160 = arith.addi %iota3A, %parallel_loop3A_159 : vector<16xi32>
      %parallel_loop3A_161 = arith.constant 2 : i32
      %parallel_loop3A_162 = vector.broadcast %parallel_loop3A_161 : i32 to vector<16xi32>
      %parallel_loop3A_163 = arith.constant 4 : i32
      %parallel_loop3A_164 = arith.muli %parallel_loop3A_163, %parallel_loop3A_105 : i32
      %parallel_loop3A_165 = vector.broadcast %parallel_loop3A_164 : i32 to vector<16xi32>
      %parallel_loop3A_166 = arith.addi %parallel_loop3A_162, %parallel_loop3A_165 : vector<16xi32>
      %parallel_loop3A_167 = tpu.vector_load_idx %arg5[%parallel_loop3A_160, %parallel_loop3A_166] : memref<32x128xf32, #tpu.memory_space<vmem>>[vector<16xi32>, vector<16xi32>], vector<16xf32>,
      %parallel_loop3A_168 = arith.index_cast %parallel_loop3A_105 : i32 to index
      %parallel_loop3A_169 = arith.constant 64 : index
      %parallel_loop3A_170 = tpu.vector_load %arg7[%parallel_loop3A_168, %parallel_loop3A_169] {strides = array<i32>} : memref<32x128xf32, #tpu.memory_space<vmem>>, vector<16xf32>,
      tpu.vector_store %arg7[%parallel_loop3A_168, %parallel_loop3A_169], %parallel_loop3A_167 {strides = array<i32>} : memref<32x128xf32, #tpu.memory_space<vmem>>, vector<16xf32>,
      %parallel_loop3A_171 = arith.constant 16 : i32
      %parallel_loop3A_172 = vector.broadcast %parallel_loop3A_171 : i32 to vector<16xi32>
      %parallel_loop3A_173 = arith.addi %iota3A, %parallel_loop3A_172 : vector<16xi32>
      %parallel_loop3A_174 = arith.constant 2 : i32
      %parallel_loop3A_175 = vector.broadcast %parallel_loop3A_174 : i32 to vector<16xi32>
      %parallel_loop3A_176 = arith.constant 4 : i32
      %parallel_loop3A_177 = arith.muli %parallel_loop3A_176, %parallel_loop3A_105 : i32
      %parallel_loop3A_178 = vector.broadcast %parallel_loop3A_177 : i32 to vector<16xi32>
      %parallel_loop3A_179 = arith.addi %parallel_loop3A_175, %parallel_loop3A_178 : vector<16xi32>
      %parallel_loop3A_180 = tpu.vector_load_idx %arg5[%parallel_loop3A_173, %parallel_loop3A_179] : memref<32x128xf32, #tpu.memory_space<vmem>>[vector<16xi32>, vector<16xi32>], vector<16xf32>,
      %parallel_loop3A_181 = arith.index_cast %parallel_loop3A_105 : i32 to index
      %parallel_loop3A_182 = arith.constant 80 : index
      %parallel_loop3A_183 = tpu.vector_load %arg7[%parallel_loop3A_181, %parallel_loop3A_182] {strides = array<i32>} : memref<32x128xf32, #tpu.memory_space<vmem>>, vector<16xf32>,
      tpu.vector_store %arg7[%parallel_loop3A_181, %parallel_loop3A_182], %parallel_loop3A_180 {strides = array<i32>} : memref<32x128xf32, #tpu.memory_space<vmem>>, vector<16xf32>,
      %parallel_loop3A_184 = arith.constant 0 : i32
      %parallel_loop3A_185 = vector.broadcast %parallel_loop3A_184 : i32 to vector<16xi32>
      %parallel_loop3A_186 = arith.addi %iota3A, %parallel_loop3A_185 : vector<16xi32>
      %parallel_loop3A_187 = arith.constant 3 : i32
      %parallel_loop3A_188 = vector.broadcast %parallel_loop3A_187 : i32 to vector<16xi32>
      %parallel_loop3A_189 = arith.constant 4 : i32
      %parallel_loop3A_190 = arith.muli %parallel_loop3A_189, %parallel_loop3A_105 : i32
      %parallel_loop3A_191 = vector.broadcast %parallel_loop3A_190 : i32 to vector<16xi32>
      %parallel_loop3A_192 = arith.addi %parallel_loop3A_188, %parallel_loop3A_191 : vector<16xi32>
      %parallel_loop3A_193 = tpu.vector_load_idx %arg5[%parallel_loop3A_186, %parallel_loop3A_192] : memref<32x128xf32, #tpu.memory_space<vmem>>[vector<16xi32>, vector<16xi32>], vector<16xf32>,
      %parallel_loop3A_194 = arith.index_cast %parallel_loop3A_105 : i32 to index
      %parallel_loop3A_195 = arith.constant 96 : index
      %parallel_loop3A_196 = tpu.vector_load %arg7[%parallel_loop3A_194, %parallel_loop3A_195] {strides = array<i32>} : memref<32x128xf32, #tpu.memory_space<vmem>>, vector<16xf32>,
      tpu.vector_store %arg7[%parallel_loop3A_194, %parallel_loop3A_195], %parallel_loop3A_193 {strides = array<i32>} : memref<32x128xf32, #tpu.memory_space<vmem>>, vector<16xf32>,
      %parallel_loop3A_197 = arith.constant 16 : i32
      %parallel_loop3A_198 = vector.broadcast %parallel_loop3A_197 : i32 to vector<16xi32>
      %parallel_loop3A_199 = arith.addi %iota3A, %parallel_loop3A_198 : vector<16xi32>
      %parallel_loop3A_200 = arith.constant 3 : i32
      %parallel_loop3A_201 = vector.broadcast %parallel_loop3A_200 : i32 to vector<16xi32>
      %parallel_loop3A_202 = arith.constant 4 : i32
      %parallel_loop3A_203 = arith.muli %parallel_loop3A_202, %parallel_loop3A_105 : i32
      %parallel_loop3A_204 = vector.broadcast %parallel_loop3A_203 : i32 to vector<16xi32>
      %parallel_loop3A_205 = arith.addi %parallel_loop3A_201, %parallel_loop3A_204 : vector<16xi32>
      %parallel_loop3A_206 = tpu.vector_load_idx %arg5[%parallel_loop3A_199, %parallel_loop3A_205] : memref<32x128xf32, #tpu.memory_space<vmem>>[vector<16xi32>, vector<16xi32>], vector<16xf32>,
      %parallel_loop3A_207 = arith.index_cast %parallel_loop3A_105 : i32 to index
      %parallel_loop3A_208 = arith.constant 112 : index
      %parallel_loop3A_209 = tpu.vector_load %arg7[%parallel_loop3A_207, %parallel_loop3A_208] {strides = array<i32>} : memref<32x128xf32, #tpu.memory_space<vmem>>, vector<16xf32>,
      tpu.vector_store %arg7[%parallel_loop3A_207, %parallel_loop3A_208], %parallel_loop3A_206 {strides = array<i32>} : memref<32x128xf32, #tpu.memory_space<vmem>>, vector<16xf32>,
    } {sc.loop_unroll_factor = 8 : i64, sc.parallel_access}
    %add3A_26 = arith.constant 0 : i32
    %add3A_27 = arith.addi %add3A, %add3A_26 : i32
    %min3A_28 = arith.constant 20311 : i32
    %min3A_29 = arith.minsi %add3A_27, %min3A_28 : i32
    %mul3A_30 = arith.constant 32 : i32
    %mul3A_31 = arith.muli %mul3A_30, %min3A_29 : i32
    %dma_start3A_32 = arith.constant 0 : i32
    %dma_start3A_33 = tpu.memref_slice %arg4[%mul3A_31, %dma_start3A_32] : memref<650000x128xf32, #tpu.memory_space<hbm>> -> memref<32x128xf32, #tpu.memory_space<hbm>>
    %dma_start3A_34 = arith.constant 0 : i32
    %dma_start3A_35 = tpu.memref_slice %arg4[%mul3A_31, %dma_start3A_34] : memref<650000x128xf32, #tpu.memory_space<hbm>> -> memref<32x128xf32, #tpu.memory_space<hbm>>
    tpu.enqueue_dma source(%arg7 : memref<32x128xf32, #tpu.memory_space<vmem>>) target(%dma_start3A_35 : memref<32x128xf32, #tpu.memory_space<hbm>>) target_semaphore(%arg11 : memref<!tpu.dma_semaphore, #tpu.memory_space<semaphore_mem>>)
    %add3A_36 = arith.constant 64 : i32
    %add3A_37 = arith.addi %add3A, %add3A_36 : i32
    %min3A_38 = arith.constant 20311 : i32
    %min3A_39 = arith.minsi %add3A_37, %min3A_38 : i32
    %mul3A_40 = arith.constant 128 : i32
    %mul3A_41 = arith.muli %mul3A_40, %min3A_39 : i32
    %dma_start3A_42 = arith.constant 0 : i32
    %dma_start3A_43 = tpu.memref_slice %arg2[%dma_start3A_42, %mul3A_41] : memref<32x2600000xf32, #tpu.memory_space<hbm>> -> memref<32x128xf32, #tpu.memory_space<hbm>>
    %dma_start3A_44 = arith.constant 0 : i32
    %dma_start3A_45 = tpu.memref_slice %arg2[%dma_start3A_44, %mul3A_41] : memref<32x2600000xf32, #tpu.memory_space<hbm>> -> memref<32x128xf32, #tpu.memory_space<hbm>>
    tpu.enqueue_dma source(%dma_start3A_45 : memref<32x128xf32, #tpu.memory_space<hbm>>) target(%arg5 : memref<32x128xf32, #tpu.memory_space<vmem>>) target_semaphore(%arg9 : memref<!tpu.dma_semaphore, #tpu.memory_space<semaphore_mem>>)
    %dma_wait3A_46 = arith.constant 0 : i32
    %dma_wait3A_47 = arith.constant 0 : i32
    %dma_wait3A_48 = tpu.memref_slice %arg2[%dma_wait3A_46, %dma_wait3A_47] : memref<32x2600000xf32, #tpu.memory_space<hbm>> -> memref<32x128xf32, #tpu.memory_space<hbm>>
    %dma_wait3A_49 = arith.constant 0 : i32
    %dma_wait3A_50 = arith.constant 0 : i32
    %dma_wait3A_51 = tpu.memref_slice %arg2[%dma_wait3A_49, %dma_wait3A_50] : memref<32x2600000xf32, #tpu.memory_space<hbm>> -> memref<32x128xf32, #tpu.memory_space<hbm>>
    tpu.wait_dma2 semaphore(%arg10 : memref<!tpu.dma_semaphore, #tpu.memory_space<semaphore_mem>>) src(%dma_wait3A_51 : memref<32x128xf32, #tpu.memory_space<hbm>>) dst(%arg6 : memref<32x128xf32, #tpu.memory_space<vmem>>)
    %parallel_loop3A_52 = arith.constant 0 : i32
    %parallel_loop3A_53 = arith.constant 32 : i32
    %parallel_loop3A_54 = arith.constant 1 : i32
    scf.for %parallel_loop3A_105 = %parallel_loop3A_52 to %parallel_loop3A_53 step %parallel_loop3A_54  : i32 {
      %parallel_loop3A_106 = arith.constant 0 : i32
      %parallel_loop3A_107 = vector.broadcast %parallel_loop3A_106 : i32 to vector<16xi32>
      %parallel_loop3A_108 = arith.addi %iota3A, %parallel_loop3A_107 : vector<16xi32>
      %parallel_loop3A_109 = arith.constant 0 : i32
      %parallel_loop3A_110 = vector.broadcast %parallel_loop3A_109 : i32 to vector<16xi32>
      %parallel_loop3A_111 = arith.constant 4 : i32
      %parallel_loop3A_112 = arith.muli %parallel_loop3A_111, %parallel_loop3A_105 : i32
      %parallel_loop3A_113 = vector.broadcast %parallel_loop3A_112 : i32 to vector<16xi32>
      %parallel_loop3A_114 = arith.addi %parallel_loop3A_110, %parallel_loop3A_113 : vector<16xi32>
      %parallel_loop3A_115 = tpu.vector_load_idx %arg6[%parallel_loop3A_108, %parallel_loop3A_114] : memref<32x128xf32, #tpu.memory_space<vmem>>[vector<16xi32>, vector<16xi32>], vector<16xf32>,
      %parallel_loop3A_116 = arith.index_cast %parallel_loop3A_105 : i32 to index
      %parallel_loop3A_117 = arith.constant 0 : index
      %parallel_loop3A_118 = tpu.vector_load %arg8[%parallel_loop3A_116, %parallel_loop3A_117] {strides = array<i32>} : memref<32x128xf32, #tpu.memory_space<vmem>>, vector<16xf32>,
      tpu.vector_store %arg8[%parallel_loop3A_116, %parallel_loop3A_117], %parallel_loop3A_115 {strides = array<i32>} : memref<32x128xf32, #tpu.memory_space<vmem>>, vector<16xf32>,
      %parallel_loop3A_119 = arith.constant 16 : i32
      %parallel_loop3A_120 = vector.broadcast %parallel_loop3A_119 : i32 to vector<16xi32>
      %parallel_loop3A_121 = arith.addi %iota3A, %parallel_loop3A_120 : vector<16xi32>
      %parallel_loop3A_122 = arith.constant 0 : i32
      %parallel_loop3A_123 = vector.broadcast %parallel_loop3A_122 : i32 to vector<16xi32>
      %parallel_loop3A_124 = arith.constant 4 : i32
      %parallel_loop3A_125 = arith.muli %parallel_loop3A_124, %parallel_loop3A_105 : i32
      %parallel_loop3A_126 = vector.broadcast %parallel_loop3A_125 : i32 to vector<16xi32>
      %parallel_loop3A_127 = arith.addi %parallel_loop3A_123, %parallel_loop3A_126 : vector<16xi32>
      %parallel_loop3A_128 = tpu.vector_load_idx %arg6[%parallel_loop3A_121, %parallel_loop3A_127] : memref<32x128xf32, #tpu.memory_space<vmem>>[vector<16xi32>, vector<16xi32>], vector<16xf32>,
      %parallel_loop3A_129 = arith.index_cast %parallel_loop3A_105 : i32 to index
      %parallel_loop3A_130 = arith.constant 16 : index
      %parallel_loop3A_131 = tpu.vector_load %arg8[%parallel_loop3A_129, %parallel_loop3A_130] {strides = array<i32>} : memref<32x128xf32, #tpu.memory_space<vmem>>, vector<16xf32>,
      tpu.vector_store %arg8[%parallel_loop3A_129, %parallel_loop3A_130], %parallel_loop3A_128 {strides = array<i32>} : memref<32x128xf32, #tpu.memory_space<vmem>>, vector<16xf32>,
      %parallel_loop3A_132 = arith.constant 0 : i32
      %parallel_loop3A_133 = vector.broadcast %parallel_loop3A_132 : i32 to vector<16xi32>
      %parallel_loop3A_134 = arith.addi %iota3A, %parallel_loop3A_133 : vector<16xi32>
      %parallel_loop3A_135 = arith.constant 1 : i32
      %parallel_loop3A_136 = vector.broadcast %parallel_loop3A_135 : i32 to vector<16xi32>
      %parallel_loop3A_137 = arith.constant 4 : i32
      %parallel_loop3A_138 = arith.muli %parallel_loop3A_137, %parallel_loop3A_105 : i32
      %parallel_loop3A_139 = vector.broadcast %parallel_loop3A_138 : i32 to vector<16xi32>
      %parallel_loop3A_140 = arith.addi %parallel_loop3A_136, %parallel_loop3A_139 : vector<16xi32>
      %parallel_loop3A_141 = tpu.vector_load_idx %arg6[%parallel_loop3A_134, %parallel_loop3A_140] : memref<32x128xf32, #tpu.memory_space<vmem>>[vector<16xi32>, vector<16xi32>], vector<16xf32>,
      %parallel_loop3A_142 = arith.index_cast %parallel_loop3A_105 : i32 to index
      %parallel_loop3A_143 = arith.constant 32 : index
      %parallel_loop3A_144 = tpu.vector_load %arg8[%parallel_loop3A_142, %parallel_loop3A_143] {strides = array<i32>} : memref<32x128xf32, #tpu.memory_space<vmem>>, vector<16xf32>,
      tpu.vector_store %arg8[%parallel_loop3A_142, %parallel_loop3A_143], %parallel_loop3A_141 {strides = array<i32>} : memref<32x128xf32, #tpu.memory_space<vmem>>, vector<16xf32>,
      %parallel_loop3A_145 = arith.constant 16 : i32
      %parallel_loop3A_146 = vector.broadcast %parallel_loop3A_145 : i32 to vector<16xi32>
      %parallel_loop3A_147 = arith.addi %iota3A, %parallel_loop3A_146 : vector<16xi32>
      %parallel_loop3A_148 = arith.constant 1 : i32
      %parallel_loop3A_149 = vector.broadcast %parallel_loop3A_148 : i32 to vector<16xi32>
      %parallel_loop3A_150 = arith.constant 4 : i32
      %parallel_loop3A_151 = arith.muli %parallel_loop3A_150, %parallel_loop3A_105 : i32
      %parallel_loop3A_152 = vector.broadcast %parallel_loop3A_151 : i32 to vector<16xi32>
      %parallel_loop3A_153 = arith.addi %parallel_loop3A_149, %parallel_loop3A_152 : vector<16xi32>
      %parallel_loop3A_154 = tpu.vector_load_idx %arg6[%parallel_loop3A_147, %parallel_loop3A_153] : memref<32x128xf32, #tpu.memory_space<vmem>>[vector<16xi32>, vector<16xi32>], vector<16xf32>,
      %parallel_loop3A_155 = arith.index_cast %parallel_loop3A_105 : i32 to index
      %parallel_loop3A_156 = arith.constant 48 : index
      %parallel_loop3A_157 = tpu.vector_load %arg8[%parallel_loop3A_155, %parallel_loop3A_156] {strides = array<i32>} : memref<32x128xf32, #tpu.memory_space<vmem>>, vector<16xf32>,
      tpu.vector_store %arg8[%parallel_loop3A_155, %parallel_loop3A_156], %parallel_loop3A_154 {strides = array<i32>} : memref<32x128xf32, #tpu.memory_space<vmem>>, vector<16xf32>,
      %parallel_loop3A_158 = arith.constant 0 : i32
      %parallel_loop3A_159 = vector.broadcast %parallel_loop3A_158 : i32 to vector<16xi32>
      %parallel_loop3A_160 = arith.addi %iota3A, %parallel_loop3A_159 : vector<16xi32>
      %parallel_loop3A_161 = arith.constant 2 : i32
      %parallel_loop3A_162 = vector.broadcast %parallel_loop3A_161 : i32 to vector<16xi32>
      %parallel_loop3A_163 = arith.constant 4 : i32
      %parallel_loop3A_164 = arith.muli %parallel_loop3A_163, %parallel_loop3A_105 : i32
      %parallel_loop3A_165 = vector.broadcast %parallel_loop3A_164 : i32 to vector<16xi32>
      %parallel_loop3A_166 = arith.addi %parallel_loop3A_162, %parallel_loop3A_165 : vector<16xi32>
      %parallel_loop3A_167 = tpu.vector_load_idx %arg6[%parallel_loop3A_160, %parallel_loop3A_166] : memref<32x128xf32, #tpu.memory_space<vmem>>[vector<16xi32>, vector<16xi32>], vector<16xf32>,
      %parallel_loop3A_168 = arith.index_cast %parallel_loop3A_105 : i32 to index
      %parallel_loop3A_169 = arith.constant 64 : index
      %parallel_loop3A_170 = tpu.vector_load %arg8[%parallel_loop3A_168, %parallel_loop3A_169] {strides = array<i32>} : memref<32x128xf32, #tpu.memory_space<vmem>>, vector<16xf32>,
      tpu.vector_store %arg8[%parallel_loop3A_168, %parallel_loop3A_169], %parallel_loop3A_167 {strides = array<i32>} : memref<32x128xf32, #tpu.memory_space<vmem>>, vector<16xf32>,
      %parallel_loop3A_171 = arith.constant 16 : i32
      %parallel_loop3A_172 = vector.broadcast %parallel_loop3A_171 : i32 to vector<16xi32>
      %parallel_loop3A_173 = arith.addi %iota3A, %parallel_loop3A_172 : vector<16xi32>
      %parallel_loop3A_174 = arith.constant 2 : i32
      %parallel_loop3A_175 = vector.broadcast %parallel_loop3A_174 : i32 to vector<16xi32>
      %parallel_loop3A_176 = arith.constant 4 : i32
      %parallel_loop3A_177 = arith.muli %parallel_loop3A_176, %parallel_loop3A_105 : i32
      %parallel_loop3A_178 = vector.broadcast %parallel_loop3A_177 : i32 to vector<16xi32>
      %parallel_loop3A_179 = arith.addi %parallel_loop3A_175, %parallel_loop3A_178 : vector<16xi32>
      %parallel_loop3A_180 = tpu.vector_load_idx %arg6[%parallel_loop3A_173, %parallel_loop3A_179] : memref<32x128xf32, #tpu.memory_space<vmem>>[vector<16xi32>, vector<16xi32>], vector<16xf32>,
      %parallel_loop3A_181 = arith.index_cast %parallel_loop3A_105 : i32 to index
      %parallel_loop3A_182 = arith.constant 80 : index
      %parallel_loop3A_183 = tpu.vector_load %arg8[%parallel_loop3A_181, %parallel_loop3A_182] {strides = array<i32>} : memref<32x128xf32, #tpu.memory_space<vmem>>, vector<16xf32>,
      tpu.vector_store %arg8[%parallel_loop3A_181, %parallel_loop3A_182], %parallel_loop3A_180 {strides = array<i32>} : memref<32x128xf32, #tpu.memory_space<vmem>>, vector<16xf32>,
      %parallel_loop3A_184 = arith.constant 0 : i32
      %parallel_loop3A_185 = vector.broadcast %parallel_loop3A_184 : i32 to vector<16xi32>
      %parallel_loop3A_186 = arith.addi %iota3A, %parallel_loop3A_185 : vector<16xi32>
      %parallel_loop3A_187 = arith.constant 3 : i32
      %parallel_loop3A_188 = vector.broadcast %parallel_loop3A_187 : i32 to vector<16xi32>
      %parallel_loop3A_189 = arith.constant 4 : i32
      %parallel_loop3A_190 = arith.muli %parallel_loop3A_189, %parallel_loop3A_105 : i32
      %parallel_loop3A_191 = vector.broadcast %parallel_loop3A_190 : i32 to vector<16xi32>
      %parallel_loop3A_192 = arith.addi %parallel_loop3A_188, %parallel_loop3A_191 : vector<16xi32>
      %parallel_loop3A_193 = tpu.vector_load_idx %arg6[%parallel_loop3A_186, %parallel_loop3A_192] : memref<32x128xf32, #tpu.memory_space<vmem>>[vector<16xi32>, vector<16xi32>], vector<16xf32>,
      %parallel_loop3A_194 = arith.index_cast %parallel_loop3A_105 : i32 to index
      %parallel_loop3A_195 = arith.constant 96 : index
      %parallel_loop3A_196 = tpu.vector_load %arg8[%parallel_loop3A_194, %parallel_loop3A_195] {strides = array<i32>} : memref<32x128xf32, #tpu.memory_space<vmem>>, vector<16xf32>,
      tpu.vector_store %arg8[%parallel_loop3A_194, %parallel_loop3A_195], %parallel_loop3A_193 {strides = array<i32>} : memref<32x128xf32, #tpu.memory_space<vmem>>, vector<16xf32>,
      %parallel_loop3A_197 = arith.constant 16 : i32
      %parallel_loop3A_198 = vector.broadcast %parallel_loop3A_197 : i32 to vector<16xi32>
      %parallel_loop3A_199 = arith.addi %iota3A, %parallel_loop3A_198 : vector<16xi32>
      %parallel_loop3A_200 = arith.constant 3 : i32
      %parallel_loop3A_201 = vector.broadcast %parallel_loop3A_200 : i32 to vector<16xi32>
      %parallel_loop3A_202 = arith.constant 4 : i32
      %parallel_loop3A_203 = arith.muli %parallel_loop3A_202, %parallel_loop3A_105 : i32
      %parallel_loop3A_204 = vector.broadcast %parallel_loop3A_203 : i32 to vector<16xi32>
      %parallel_loop3A_205 = arith.addi %parallel_loop3A_201, %parallel_loop3A_204 : vector<16xi32>
      %parallel_loop3A_206 = tpu.vector_load_idx %arg6[%parallel_loop3A_199, %parallel_loop3A_205] : memref<32x128xf32, #tpu.memory_space<vmem>>[vector<16xi32>, vector<16xi32>], vector<16xf32>,
      %parallel_loop3A_207 = arith.index_cast %parallel_loop3A_105 : i32 to index
      %parallel_loop3A_208 = arith.constant 112 : index
      %parallel_loop3A_209 = tpu.vector_load %arg8[%parallel_loop3A_207, %parallel_loop3A_208] {strides = array<i32>} : memref<32x128xf32, #tpu.memory_space<vmem>>, vector<16xf32>,
      tpu.vector_store %arg8[%parallel_loop3A_207, %parallel_loop3A_208], %parallel_loop3A_206 {strides = array<i32>} : memref<32x128xf32, #tpu.memory_space<vmem>>, vector<16xf32>,
    } {sc.loop_unroll_factor = 8 : i64, sc.parallel_access}
    %add3A_55 = arith.constant 32 : i32
    %add3A_56 = arith.addi %add3A, %add3A_55 : i32
    %min3A_57 = arith.constant 20311 : i32
    %min3A_58 = arith.minsi %add3A_56, %min3A_57 : i32
    %mul3A_59 = arith.constant 32 : i32
    %mul3A_60 = arith.muli %mul3A_59, %min3A_58 : i32
    %dma_start3A_61 = arith.constant 0 : i32
    %dma_start3A_62 = tpu.memref_slice %arg4[%mul3A_60, %dma_start3A_61] : memref<650000x128xf32, #tpu.memory_space<hbm>> -> memref<32x128xf32, #tpu.memory_space<hbm>>
    %dma_start3A_63 = arith.constant 0 : i32
    %dma_start3A_64 = tpu.memref_slice %arg4[%mul3A_60, %dma_start3A_63] : memref<650000x128xf32, #tpu.memory_space<hbm>> -> memref<32x128xf32, #tpu.memory_space<hbm>>
    tpu.enqueue_dma source(%arg8 : memref<32x128xf32, #tpu.memory_space<vmem>>) target(%dma_start3A_64 : memref<32x128xf32, #tpu.memory_space<hbm>>) target_semaphore(%arg12 : memref<!tpu.dma_semaphore, #tpu.memory_space<semaphore_mem>>)
    %add3A_65 = arith.constant 96 : i32
    %add3A_66 = arith.addi %add3A, %add3A_65 : i32
    %min3A_67 = arith.constant 20311 : i32
    %min3A_68 = arith.minsi %add3A_66, %min3A_67 : i32
    %mul3A_69 = arith.constant 128 : i32
    %mul3A_70 = arith.muli %mul3A_69, %min3A_68 : i32
    %dma_start3A_71 = arith.constant 0 : i32
    %dma_start3A_72 = tpu.memref_slice %arg2[%dma_start3A_71, %mul3A_70] : memref<32x2600000xf32, #tpu.memory_space<hbm>> -> memref<32x128xf32, #tpu.memory_space<hbm>>
    %dma_start3A_73 = arith.constant 0 : i32
    %dma_start3A_74 = tpu.memref_slice %arg2[%dma_start3A_73, %mul3A_70] : memref<32x2600000xf32, #tpu.memory_space<hbm>> -> memref<32x128xf32, #tpu.memory_space<hbm>>
    tpu.enqueue_dma source(%dma_start3A_74 : memref<32x128xf32, #tpu.memory_space<hbm>>) target(%arg6 : memref<32x128xf32, #tpu.memory_space<vmem>>) target_semaphore(%arg10 : memref<!tpu.dma_semaphore, #tpu.memory_space<semaphore_mem>>)
    %scan3A = arith.constant 0 : i32
    %scan3A_75 = arith.constant 317 : i32
    %scan3A_76 = arith.addi %scan3A, %scan3A_75 : i32
    %scan3A_77 = arith.constant 1 : i32
    scf.for %scan3A_105 = %scan3A to %scan3A_76 step %scan3A_77  : i32 {
      %mul3A_106 = arith.constant 1 : i32
      %mul3A_107 = arith.muli %scan3A_105, %mul3A_106 : i32
      %add3A_108 = arith.constant 1 : i32
      %add3A_109 = arith.addi %add3A_108, %mul3A_107 : i32
      %mul3A_110 = arith.constant 2 : i32
      %mul3A_111 = arith.muli %mul3A_110, %add3A_109 : i32
      %add3A_112 = arith.constant 0 : i32
      %add3A_113 = arith.addi %mul3A_111, %add3A_112 : i32
      %dma_wait3A_114 = arith.constant 0 : i32
      %dma_wait3A_115 = arith.constant 0 : i32
      %dma_wait3A_116 = tpu.memref_slice %arg2[%dma_wait3A_114, %dma_wait3A_115] : memref<32x2600000xf32, #tpu.memory_space<hbm>> -> memref<32x128xf32, #tpu.memory_space<hbm>>
      %dma_wait3A_117 = arith.constant 0 : i32
      %dma_wait3A_118 = arith.constant 0 : i32
      %dma_wait3A_119 = tpu.memref_slice %arg2[%dma_wait3A_117, %dma_wait3A_118] : memref<32x2600000xf32, #tpu.memory_space<hbm>> -> memref<32x128xf32, #tpu.memory_space<hbm>>
      tpu.wait_dma2 semaphore(%arg9 : memref<!tpu.dma_semaphore, #tpu.memory_space<semaphore_mem>>) src(%dma_wait3A_119 : memref<32x128xf32, #tpu.memory_space<hbm>>) dst(%arg5 : memref<32x128xf32, #tpu.memory_space<vmem>>)
      %dma_wait3A_120 = arith.constant 0 : i32
      %dma_wait3A_121 = arith.constant 0 : i32
      %dma_wait3A_122 = tpu.memref_slice %arg4[%dma_wait3A_120, %dma_wait3A_121] : memref<650000x128xf32, #tpu.memory_space<hbm>> -> memref<32x128xf32, #tpu.memory_space<hbm>>
      %dma_wait3A_123 = arith.constant 0 : i32
      %dma_wait3A_124 = arith.constant 0 : i32
      %dma_wait3A_125 = tpu.memref_slice %arg4[%dma_wait3A_123, %dma_wait3A_124] : memref<650000x128xf32, #tpu.memory_space<hbm>> -> memref<32x128xf32, #tpu.memory_space<hbm>>
      tpu.wait_dma2 semaphore(%arg11 : memref<!tpu.dma_semaphore, #tpu.memory_space<semaphore_mem>>) src(%arg7 : memref<32x128xf32, #tpu.memory_space<vmem>>) dst(%dma_wait3A_125 : memref<32x128xf32, #tpu.memory_space<hbm>>)
      %parallel_loop3A_126 = arith.constant 0 : i32
      %parallel_loop3A_127 = arith.constant 32 : i32
      %parallel_loop3A_128 = arith.constant 1 : i32
      scf.for %parallel_loop3A_196 = %parallel_loop3A_126 to %parallel_loop3A_127 step %parallel_loop3A_128  : i32 {
        %parallel_loop3A_197 = arith.constant 0 : i32
        %parallel_loop3A_198 = vector.broadcast %parallel_loop3A_197 : i32 to vector<16xi32>
        %parallel_loop3A_199 = arith.addi %iota3A, %parallel_loop3A_198 : vector<16xi32>
        %parallel_loop3A_200 = arith.constant 0 : i32
        %parallel_loop3A_201 = vector.broadcast %parallel_loop3A_200 : i32 to vector<16xi32>
        %parallel_loop3A_202 = arith.constant 4 : i32
        %parallel_loop3A_203 = arith.muli %parallel_loop3A_202, %parallel_loop3A_196 : i32
        %parallel_loop3A_204 = vector.broadcast %parallel_loop3A_203 : i32 to vector<16xi32>
        %parallel_loop3A_205 = arith.addi %parallel_loop3A_201, %parallel_loop3A_204 : vector<16xi32>
        %parallel_loop3A_206 = tpu.vector_load_idx %arg5[%parallel_loop3A_199, %parallel_loop3A_205] : memref<32x128xf32, #tpu.memory_space<vmem>>[vector<16xi32>, vector<16xi32>], vector<16xf32>,
        %parallel_loop3A_207 = arith.index_cast %parallel_loop3A_196 : i32 to index
        %parallel_loop3A_208 = arith.constant 0 : index
        %parallel_loop3A_209 = tpu.vector_load %arg7[%parallel_loop3A_207, %parallel_loop3A_208] {strides = array<i32>} : memref<32x128xf32, #tpu.memory_space<vmem>>, vector<16xf32>,
        tpu.vector_store %arg7[%parallel_loop3A_207, %parallel_loop3A_208], %parallel_loop3A_206 {strides = array<i32>} : memref<32x128xf32, #tpu.memory_space<vmem>>, vector<16xf32>,
        %parallel_loop3A_210 = arith.constant 16 : i32
        %parallel_loop3A_211 = vector.broadcast %parallel_loop3A_210 : i32 to vector<16xi32>
        %parallel_loop3A_212 = arith.addi %iota3A, %parallel_loop3A_211 : vector<16xi32>
        %parallel_loop3A_213 = arith.constant 0 : i32
        %parallel_loop3A_214 = vector.broadcast %parallel_loop3A_213 : i32 to vector<16xi32>
        %parallel_loop3A_215 = arith.constant 4 : i32
        %parallel_loop3A_216 = arith.muli %parallel_loop3A_215, %parallel_loop3A_196 : i32
        %parallel_loop3A_217 = vector.broadcast %parallel_loop3A_216 : i32 to vector<16xi32>
        %parallel_loop3A_218 = arith.addi %parallel_loop3A_214, %parallel_loop3A_217 : vector<16xi32>
        %parallel_loop3A_219 = tpu.vector_load_idx %arg5[%parallel_loop3A_212, %parallel_loop3A_218] : memref<32x128xf32, #tpu.memory_space<vmem>>[vector<16xi32>, vector<16xi32>], vector<16xf32>,
        %parallel_loop3A_220 = arith.index_cast %parallel_loop3A_196 : i32 to index
        %parallel_loop3A_221 = arith.constant 16 : index
        %parallel_loop3A_222 = tpu.vector_load %arg7[%parallel_loop3A_220, %parallel_loop3A_221] {strides = array<i32>} : memref<32x128xf32, #tpu.memory_space<vmem>>, vector<16xf32>,
        tpu.vector_store %arg7[%parallel_loop3A_220, %parallel_loop3A_221], %parallel_loop3A_219 {strides = array<i32>} : memref<32x128xf32, #tpu.memory_space<vmem>>, vector<16xf32>,
        %parallel_loop3A_223 = arith.constant 0 : i32
        %parallel_loop3A_224 = vector.broadcast %parallel_loop3A_223 : i32 to vector<16xi32>
        %parallel_loop3A_225 = arith.addi %iota3A, %parallel_loop3A_224 : vector<16xi32>
        %parallel_loop3A_226 = arith.constant 1 : i32
        %parallel_loop3A_227 = vector.broadcast %parallel_loop3A_226 : i32 to vector<16xi32>
        %parallel_loop3A_228 = arith.constant 4 : i32
        %parallel_loop3A_229 = arith.muli %parallel_loop3A_228, %parallel_loop3A_196 : i32
        %parallel_loop3A_230 = vector.broadcast %parallel_loop3A_229 : i32 to vector<16xi32>
        %parallel_loop3A_231 = arith.addi %parallel_loop3A_227, %parallel_loop3A_230 : vector<16xi32>
        %parallel_loop3A_232 = tpu.vector_load_idx %arg5[%parallel_loop3A_225, %parallel_loop3A_231] : memref<32x128xf32, #tpu.memory_space<vmem>>[vector<16xi32>, vector<16xi32>], vector<16xf32>,
        %parallel_loop3A_233 = arith.index_cast %parallel_loop3A_196 : i32 to index
        %parallel_loop3A_234 = arith.constant 32 : index
        %parallel_loop3A_235 = tpu.vector_load %arg7[%parallel_loop3A_233, %parallel_loop3A_234] {strides = array<i32>} : memref<32x128xf32, #tpu.memory_space<vmem>>, vector<16xf32>,
        tpu.vector_store %arg7[%parallel_loop3A_233, %parallel_loop3A_234], %parallel_loop3A_232 {strides = array<i32>} : memref<32x128xf32, #tpu.memory_space<vmem>>, vector<16xf32>,
        %parallel_loop3A_236 = arith.constant 16 : i32
        %parallel_loop3A_237 = vector.broadcast %parallel_loop3A_236 : i32 to vector<16xi32>
        %parallel_loop3A_238 = arith.addi %iota3A, %parallel_loop3A_237 : vector<16xi32>
        %parallel_loop3A_239 = arith.constant 1 : i32
        %parallel_loop3A_240 = vector.broadcast %parallel_loop3A_239 : i32 to vector<16xi32>
        %parallel_loop3A_241 = arith.constant 4 : i32
        %parallel_loop3A_242 = arith.muli %parallel_loop3A_241, %parallel_loop3A_196 : i32
        %parallel_loop3A_243 = vector.broadcast %parallel_loop3A_242 : i32 to vector<16xi32>
        %parallel_loop3A_244 = arith.addi %parallel_loop3A_240, %parallel_loop3A_243 : vector<16xi32>
        %parallel_loop3A_245 = tpu.vector_load_idx %arg5[%parallel_loop3A_238, %parallel_loop3A_244] : memref<32x128xf32, #tpu.memory_space<vmem>>[vector<16xi32>, vector<16xi32>], vector<16xf32>,
        %parallel_loop3A_246 = arith.index_cast %parallel_loop3A_196 : i32 to index
        %parallel_loop3A_247 = arith.constant 48 : index
        %parallel_loop3A_248 = tpu.vector_load %arg7[%parallel_loop3A_246, %parallel_loop3A_247] {strides = array<i32>} : memref<32x128xf32, #tpu.memory_space<vmem>>, vector<16xf32>,
        tpu.vector_store %arg7[%parallel_loop3A_246, %parallel_loop3A_247], %parallel_loop3A_245 {strides = array<i32>} : memref<32x128xf32, #tpu.memory_space<vmem>>, vector<16xf32>,
        %parallel_loop3A_249 = arith.constant 0 : i32
        %parallel_loop3A_250 = vector.broadcast %parallel_loop3A_249 : i32 to vector<16xi32>
        %parallel_loop3A_251 = arith.addi %iota3A, %parallel_loop3A_250 : vector<16xi32>
        %parallel_loop3A_252 = arith.constant 2 : i32
        %parallel_loop3A_253 = vector.broadcast %parallel_loop3A_252 : i32 to vector<16xi32>
        %parallel_loop3A_254 = arith.constant 4 : i32
        %parallel_loop3A_255 = arith.muli %parallel_loop3A_254, %parallel_loop3A_196 : i32
        %parallel_loop3A_256 = vector.broadcast %parallel_loop3A_255 : i32 to vector<16xi32>
        %parallel_loop3A_257 = arith.addi %parallel_loop3A_253, %parallel_loop3A_256 : vector<16xi32>
        %parallel_loop3A_258 = tpu.vector_load_idx %arg5[%parallel_loop3A_251, %parallel_loop3A_257] : memref<32x128xf32, #tpu.memory_space<vmem>>[vector<16xi32>, vector<16xi32>], vector<16xf32>,
        %parallel_loop3A_259 = arith.index_cast %parallel_loop3A_196 : i32 to index
        %parallel_loop3A_260 = arith.constant 64 : index
        %parallel_loop3A_261 = tpu.vector_load %arg7[%parallel_loop3A_259, %parallel_loop3A_260] {strides = array<i32>} : memref<32x128xf32, #tpu.memory_space<vmem>>, vector<16xf32>,
        tpu.vector_store %arg7[%parallel_loop3A_259, %parallel_loop3A_260], %parallel_loop3A_258 {strides = array<i32>} : memref<32x128xf32, #tpu.memory_space<vmem>>, vector<16xf32>,
        %parallel_loop3A_262 = arith.constant 16 : i32
        %parallel_loop3A_263 = vector.broadcast %parallel_loop3A_262 : i32 to vector<16xi32>
        %parallel_loop3A_264 = arith.addi %iota3A, %parallel_loop3A_263 : vector<16xi32>
        %parallel_loop3A_265 = arith.constant 2 : i32
        %parallel_loop3A_266 = vector.broadcast %parallel_loop3A_265 : i32 to vector<16xi32>
        %parallel_loop3A_267 = arith.constant 4 : i32
        %parallel_loop3A_268 = arith.muli %parallel_loop3A_267, %parallel_loop3A_196 : i32
        %parallel_loop3A_269 = vector.broadcast %parallel_loop3A_268 : i32 to vector<16xi32>
        %parallel_loop3A_270 = arith.addi %parallel_loop3A_266, %parallel_loop3A_269 : vector<16xi32>
        %parallel_loop3A_271 = tpu.vector_load_idx %arg5[%parallel_loop3A_264, %parallel_loop3A_270] : memref<32x128xf32, #tpu.memory_space<vmem>>[vector<16xi32>, vector<16xi32>], vector<16xf32>,
        %parallel_loop3A_272 = arith.index_cast %parallel_loop3A_196 : i32 to index
        %parallel_loop3A_273 = arith.constant 80 : index
        %parallel_loop3A_274 = tpu.vector_load %arg7[%parallel_loop3A_272, %parallel_loop3A_273] {strides = array<i32>} : memref<32x128xf32, #tpu.memory_space<vmem>>, vector<16xf32>,
        tpu.vector_store %arg7[%parallel_loop3A_272, %parallel_loop3A_273], %parallel_loop3A_271 {strides = array<i32>} : memref<32x128xf32, #tpu.memory_space<vmem>>, vector<16xf32>,
        %parallel_loop3A_275 = arith.constant 0 : i32
        %parallel_loop3A_276 = vector.broadcast %parallel_loop3A_275 : i32 to vector<16xi32>
        %parallel_loop3A_277 = arith.addi %iota3A, %parallel_loop3A_276 : vector<16xi32>
        %parallel_loop3A_278 = arith.constant 3 : i32
        %parallel_loop3A_279 = vector.broadcast %parallel_loop3A_278 : i32 to vector<16xi32>
        %parallel_loop3A_280 = arith.constant 4 : i32
        %parallel_loop3A_281 = arith.muli %parallel_loop3A_280, %parallel_loop3A_196 : i32
        %parallel_loop3A_282 = vector.broadcast %parallel_loop3A_281 : i32 to vector<16xi32>
        %parallel_loop3A_283 = arith.addi %parallel_loop3A_279, %parallel_loop3A_282 : vector<16xi32>
        %parallel_loop3A_284 = tpu.vector_load_idx %arg5[%parallel_loop3A_277, %parallel_loop3A_283] : memref<32x128xf32, #tpu.memory_space<vmem>>[vector<16xi32>, vector<16xi32>], vector<16xf32>,
        %parallel_loop3A_285 = arith.index_cast %parallel_loop3A_196 : i32 to index
        %parallel_loop3A_286 = arith.constant 96 : index
        %parallel_loop3A_287 = tpu.vector_load %arg7[%parallel_loop3A_285, %parallel_loop3A_286] {strides = array<i32>} : memref<32x128xf32, #tpu.memory_space<vmem>>, vector<16xf32>,
        tpu.vector_store %arg7[%parallel_loop3A_285, %parallel_loop3A_286], %parallel_loop3A_284 {strides = array<i32>} : memref<32x128xf32, #tpu.memory_space<vmem>>, vector<16xf32>,
        %parallel_loop3A_288 = arith.constant 16 : i32
        %parallel_loop3A_289 = vector.broadcast %parallel_loop3A_288 : i32 to vector<16xi32>
        %parallel_loop3A_290 = arith.addi %iota3A, %parallel_loop3A_289 : vector<16xi32>
        %parallel_loop3A_291 = arith.constant 3 : i32
        %parallel_loop3A_292 = vector.broadcast %parallel_loop3A_291 : i32 to vector<16xi32>
        %parallel_loop3A_293 = arith.constant 4 : i32
        %parallel_loop3A_294 = arith.muli %parallel_loop3A_293, %parallel_loop3A_196 : i32
        %parallel_loop3A_295 = vector.broadcast %parallel_loop3A_294 : i32 to vector<16xi32>
        %parallel_loop3A_296 = arith.addi %parallel_loop3A_292, %parallel_loop3A_295 : vector<16xi32>
        %parallel_loop3A_297 = tpu.vector_load_idx %arg5[%parallel_loop3A_290, %parallel_loop3A_296] : memref<32x128xf32, #tpu.memory_space<vmem>>[vector<16xi32>, vector<16xi32>], vector<16xf32>,
        %parallel_loop3A_298 = arith.index_cast %parallel_loop3A_196 : i32 to index
        %parallel_loop3A_299 = arith.constant 112 : index
        %parallel_loop3A_300 = tpu.vector_load %arg7[%parallel_loop3A_298, %parallel_loop3A_299] {strides = array<i32>} : memref<32x128xf32, #tpu.memory_space<vmem>>, vector<16xf32>,
        tpu.vector_store %arg7[%parallel_loop3A_298, %parallel_loop3A_299], %parallel_loop3A_297 {strides = array<i32>} : memref<32x128xf32, #tpu.memory_space<vmem>>, vector<16xf32>,
      } {sc.loop_unroll_factor = 8 : i64, sc.parallel_access}
      %mul3A_129 = arith.constant 32 : i32
      %mul3A_130 = arith.muli %mul3A_129, %add3A_113 : i32
      %add3A_131 = arith.addi %add3A, %mul3A_130 : i32
      %min3A_132 = arith.constant 20311 : i32
      %min3A_133 = arith.minsi %add3A_131, %min3A_132 : i32
      %mul3A_134 = arith.constant 32 : i32
      %mul3A_135 = arith.muli %mul3A_134, %min3A_133 : i32
      %dma_start3A_136 = arith.constant 0 : i32
      %dma_start3A_137 = tpu.memref_slice %arg4[%mul3A_135, %dma_start3A_136] : memref<650000x128xf32, #tpu.memory_space<hbm>> -> memref<32x128xf32, #tpu.memory_space<hbm>>
      %dma_start3A_138 = arith.constant 0 : i32
      %dma_start3A_139 = tpu.memref_slice %arg4[%mul3A_135, %dma_start3A_138] : memref<650000x128xf32, #tpu.memory_space<hbm>> -> memref<32x128xf32, #tpu.memory_space<hbm>>
      tpu.enqueue_dma source(%arg7 : memref<32x128xf32, #tpu.memory_space<vmem>>) target(%dma_start3A_139 : memref<32x128xf32, #tpu.memory_space<hbm>>) target_semaphore(%arg11 : memref<!tpu.dma_semaphore, #tpu.memory_space<semaphore_mem>>)
      %add3A_140 = arith.constant 2 : i32
      %add3A_141 = arith.addi %add3A_113, %add3A_140 : i32
      %mul3A_142 = arith.constant 32 : i32
      %mul3A_143 = arith.muli %mul3A_142, %add3A_141 : i32
      %add3A_144 = arith.addi %add3A, %mul3A_143 : i32
      %min3A_145 = arith.constant 20311 : i32
      %min3A_146 = arith.minsi %add3A_144, %min3A_145 : i32
      %mul3A_147 = arith.constant 128 : i32
      %mul3A_148 = arith.muli %mul3A_147, %min3A_146 : i32
      %dma_start3A_149 = arith.constant 0 : i32
      %dma_start3A_150 = tpu.memref_slice %arg2[%dma_start3A_149, %mul3A_148] : memref<32x2600000xf32, #tpu.memory_space<hbm>> -> memref<32x128xf32, #tpu.memory_space<hbm>>
      %dma_start3A_151 = arith.constant 0 : i32
      %dma_start3A_152 = tpu.memref_slice %arg2[%dma_start3A_151, %mul3A_148] : memref<32x2600000xf32, #tpu.memory_space<hbm>> -> memref<32x128xf32, #tpu.memory_space<hbm>>
      tpu.enqueue_dma source(%dma_start3A_152 : memref<32x128xf32, #tpu.memory_space<hbm>>) target(%arg5 : memref<32x128xf32, #tpu.memory_space<vmem>>) target_semaphore(%arg9 : memref<!tpu.dma_semaphore, #tpu.memory_space<semaphore_mem>>)
      %mul3A_153 = arith.constant 2 : i32
      %mul3A_154 = arith.muli %mul3A_153, %add3A_109 : i32
      %add3A_155 = arith.constant 1 : i32
      %add3A_156 = arith.addi %mul3A_154, %add3A_155 : i32
      %dma_wait3A_157 = arith.constant 0 : i32
      %dma_wait3A_158 = arith.constant 0 : i32
      %dma_wait3A_159 = tpu.memref_slice %arg2[%dma_wait3A_157, %dma_wait3A_158] : memref<32x2600000xf32, #tpu.memory_space<hbm>> -> memref<32x128xf32, #tpu.memory_space<hbm>>
      %dma_wait3A_160 = arith.constant 0 : i32
      %dma_wait3A_161 = arith.constant 0 : i32
      %dma_wait3A_162 = tpu.memref_slice %arg2[%dma_wait3A_160, %dma_wait3A_161] : memref<32x2600000xf32, #tpu.memory_space<hbm>> -> memref<32x128xf32, #tpu.memory_space<hbm>>
      tpu.wait_dma2 semaphore(%arg10 : memref<!tpu.dma_semaphore, #tpu.memory_space<semaphore_mem>>) src(%dma_wait3A_162 : memref<32x128xf32, #tpu.memory_space<hbm>>) dst(%arg6 : memref<32x128xf32, #tpu.memory_space<vmem>>)
      %dma_wait3A_163 = arith.constant 0 : i32
      %dma_wait3A_164 = arith.constant 0 : i32
      %dma_wait3A_165 = tpu.memref_slice %arg4[%dma_wait3A_163, %dma_wait3A_164] : memref<650000x128xf32, #tpu.memory_space<hbm>> -> memref<32x128xf32, #tpu.memory_space<hbm>>
      %dma_wait3A_166 = arith.constant 0 : i32
      %dma_wait3A_167 = arith.constant 0 : i32
      %dma_wait3A_168 = tpu.memref_slice %arg4[%dma_wait3A_166, %dma_wait3A_167] : memref<650000x128xf32, #tpu.memory_space<hbm>> -> memref<32x128xf32, #tpu.memory_space<hbm>>
      tpu.wait_dma2 semaphore(%arg12 : memref<!tpu.dma_semaphore, #tpu.memory_space<semaphore_mem>>) src(%arg8 : memref<32x128xf32, #tpu.memory_space<vmem>>) dst(%dma_wait3A_168 : memref<32x128xf32, #tpu.memory_space<hbm>>)
      %parallel_loop3A_169 = arith.constant 0 : i32
      %parallel_loop3A_170 = arith.constant 32 : i32
      %parallel_loop3A_171 = arith.constant 1 : i32
      scf.for %parallel_loop3A_196 = %parallel_loop3A_169 to %parallel_loop3A_170 step %parallel_loop3A_171  : i32 {
        %parallel_loop3A_197 = arith.constant 0 : i32
        %parallel_loop3A_198 = vector.broadcast %parallel_loop3A_197 : i32 to vector<16xi32>
        %parallel_loop3A_199 = arith.addi %iota3A, %parallel_loop3A_198 : vector<16xi32>
        %parallel_loop3A_200 = arith.constant 0 : i32
        %parallel_loop3A_201 = vector.broadcast %parallel_loop3A_200 : i32 to vector<16xi32>
        %parallel_loop3A_202 = arith.constant 4 : i32
        %parallel_loop3A_203 = arith.muli %parallel_loop3A_202, %parallel_loop3A_196 : i32
        %parallel_loop3A_204 = vector.broadcast %parallel_loop3A_203 : i32 to vector<16xi32>
        %parallel_loop3A_205 = arith.addi %parallel_loop3A_201, %parallel_loop3A_204 : vector<16xi32>
        %parallel_loop3A_206 = tpu.vector_load_idx %arg6[%parallel_loop3A_199, %parallel_loop3A_205] : memref<32x128xf32, #tpu.memory_space<vmem>>[vector<16xi32>, vector<16xi32>], vector<16xf32>,
        %parallel_loop3A_207 = arith.index_cast %parallel_loop3A_196 : i32 to index
        %parallel_loop3A_208 = arith.constant 0 : index
        %parallel_loop3A_209 = tpu.vector_load %arg8[%parallel_loop3A_207, %parallel_loop3A_208] {strides = array<i32>} : memref<32x128xf32, #tpu.memory_space<vmem>>, vector<16xf32>,
        tpu.vector_store %arg8[%parallel_loop3A_207, %parallel_loop3A_208], %parallel_loop3A_206 {strides = array<i32>} : memref<32x128xf32, #tpu.memory_space<vmem>>, vector<16xf32>,
        %parallel_loop3A_210 = arith.constant 16 : i32
        %parallel_loop3A_211 = vector.broadcast %parallel_loop3A_210 : i32 to vector<16xi32>
        %parallel_loop3A_212 = arith.addi %iota3A, %parallel_loop3A_211 : vector<16xi32>
        %parallel_loop3A_213 = arith.constant 0 : i32
        %parallel_loop3A_214 = vector.broadcast %parallel_loop3A_213 : i32 to vector<16xi32>
        %parallel_loop3A_215 = arith.constant 4 : i32
        %parallel_loop3A_216 = arith.muli %parallel_loop3A_215, %parallel_loop3A_196 : i32
        %parallel_loop3A_217 = vector.broadcast %parallel_loop3A_216 : i32 to vector<16xi32>
        %parallel_loop3A_218 = arith.addi %parallel_loop3A_214, %parallel_loop3A_217 : vector<16xi32>
        %parallel_loop3A_219 = tpu.vector_load_idx %arg6[%parallel_loop3A_212, %parallel_loop3A_218] : memref<32x128xf32, #tpu.memory_space<vmem>>[vector<16xi32>, vector<16xi32>], vector<16xf32>,
        %parallel_loop3A_220 = arith.index_cast %parallel_loop3A_196 : i32 to index
        %parallel_loop3A_221 = arith.constant 16 : index
        %parallel_loop3A_222 = tpu.vector_load %arg8[%parallel_loop3A_220, %parallel_loop3A_221] {strides = array<i32>} : memref<32x128xf32, #tpu.memory_space<vmem>>, vector<16xf32>,
        tpu.vector_store %arg8[%parallel_loop3A_220, %parallel_loop3A_221], %parallel_loop3A_219 {strides = array<i32>} : memref<32x128xf32, #tpu.memory_space<vmem>>, vector<16xf32>,
        %parallel_loop3A_223 = arith.constant 0 : i32
        %parallel_loop3A_224 = vector.broadcast %parallel_loop3A_223 : i32 to vector<16xi32>
        %parallel_loop3A_225 = arith.addi %iota3A, %parallel_loop3A_224 : vector<16xi32>
        %parallel_loop3A_226 = arith.constant 1 : i32
        %parallel_loop3A_227 = vector.broadcast %parallel_loop3A_226 : i32 to vector<16xi32>
        %parallel_loop3A_228 = arith.constant 4 : i32
        %parallel_loop3A_229 = arith.muli %parallel_loop3A_228, %parallel_loop3A_196 : i32
        %parallel_loop3A_230 = vector.broadcast %parallel_loop3A_229 : i32 to vector<16xi32>
        %parallel_loop3A_231 = arith.addi %parallel_loop3A_227, %parallel_loop3A_230 : vector<16xi32>
        %parallel_loop3A_232 = tpu.vector_load_idx %arg6[%parallel_loop3A_225, %parallel_loop3A_231] : memref<32x128xf32, #tpu.memory_space<vmem>>[vector<16xi32>, vector<16xi32>], vector<16xf32>,
        %parallel_loop3A_233 = arith.index_cast %parallel_loop3A_196 : i32 to index
        %parallel_loop3A_234 = arith.constant 32 : index
        %parallel_loop3A_235 = tpu.vector_load %arg8[%parallel_loop3A_233, %parallel_loop3A_234] {strides = array<i32>} : memref<32x128xf32, #tpu.memory_space<vmem>>, vector<16xf32>,
        tpu.vector_store %arg8[%parallel_loop3A_233, %parallel_loop3A_234], %parallel_loop3A_232 {strides = array<i32>} : memref<32x128xf32, #tpu.memory_space<vmem>>, vector<16xf32>,
        %parallel_loop3A_236 = arith.constant 16 : i32
        %parallel_loop3A_237 = vector.broadcast %parallel_loop3A_236 : i32 to vector<16xi32>
        %parallel_loop3A_238 = arith.addi %iota3A, %parallel_loop3A_237 : vector<16xi32>
        %parallel_loop3A_239 = arith.constant 1 : i32
        %parallel_loop3A_240 = vector.broadcast %parallel_loop3A_239 : i32 to vector<16xi32>
        %parallel_loop3A_241 = arith.constant 4 : i32
        %parallel_loop3A_242 = arith.muli %parallel_loop3A_241, %parallel_loop3A_196 : i32
        %parallel_loop3A_243 = vector.broadcast %parallel_loop3A_242 : i32 to vector<16xi32>
        %parallel_loop3A_244 = arith.addi %parallel_loop3A_240, %parallel_loop3A_243 : vector<16xi32>
        %parallel_loop3A_245 = tpu.vector_load_idx %arg6[%parallel_loop3A_238, %parallel_loop3A_244] : memref<32x128xf32, #tpu.memory_space<vmem>>[vector<16xi32>, vector<16xi32>], vector<16xf32>,
        %parallel_loop3A_246 = arith.index_cast %parallel_loop3A_196 : i32 to index
        %parallel_loop3A_247 = arith.constant 48 : index
        %parallel_loop3A_248 = tpu.vector_load %arg8[%parallel_loop3A_246, %parallel_loop3A_247] {strides = array<i32>} : memref<32x128xf32, #tpu.memory_space<vmem>>, vector<16xf32>,
        tpu.vector_store %arg8[%parallel_loop3A_246, %parallel_loop3A_247], %parallel_loop3A_245 {strides = array<i32>} : memref<32x128xf32, #tpu.memory_space<vmem>>, vector<16xf32>,
        %parallel_loop3A_249 = arith.constant 0 : i32
        %parallel_loop3A_250 = vector.broadcast %parallel_loop3A_249 : i32 to vector<16xi32>
        %parallel_loop3A_251 = arith.addi %iota3A, %parallel_loop3A_250 : vector<16xi32>
        %parallel_loop3A_252 = arith.constant 2 : i32
        %parallel_loop3A_253 = vector.broadcast %parallel_loop3A_252 : i32 to vector<16xi32>
        %parallel_loop3A_254 = arith.constant 4 : i32
        %parallel_loop3A_255 = arith.muli %parallel_loop3A_254, %parallel_loop3A_196 : i32
        %parallel_loop3A_256 = vector.broadcast %parallel_loop3A_255 : i32 to vector<16xi32>
        %parallel_loop3A_257 = arith.addi %parallel_loop3A_253, %parallel_loop3A_256 : vector<16xi32>
        %parallel_loop3A_258 = tpu.vector_load_idx %arg6[%parallel_loop3A_251, %parallel_loop3A_257] : memref<32x128xf32, #tpu.memory_space<vmem>>[vector<16xi32>, vector<16xi32>], vector<16xf32>,
        %parallel_loop3A_259 = arith.index_cast %parallel_loop3A_196 : i32 to index
        %parallel_loop3A_260 = arith.constant 64 : index
        %parallel_loop3A_261 = tpu.vector_load %arg8[%parallel_loop3A_259, %parallel_loop3A_260] {strides = array<i32>} : memref<32x128xf32, #tpu.memory_space<vmem>>, vector<16xf32>,
        tpu.vector_store %arg8[%parallel_loop3A_259, %parallel_loop3A_260], %parallel_loop3A_258 {strides = array<i32>} : memref<32x128xf32, #tpu.memory_space<vmem>>, vector<16xf32>,
        %parallel_loop3A_262 = arith.constant 16 : i32
        %parallel_loop3A_263 = vector.broadcast %parallel_loop3A_262 : i32 to vector<16xi32>
        %parallel_loop3A_264 = arith.addi %iota3A, %parallel_loop3A_263 : vector<16xi32>
        %parallel_loop3A_265 = arith.constant 2 : i32
        %parallel_loop3A_266 = vector.broadcast %parallel_loop3A_265 : i32 to vector<16xi32>
        %parallel_loop3A_267 = arith.constant 4 : i32
        %parallel_loop3A_268 = arith.muli %parallel_loop3A_267, %parallel_loop3A_196 : i32
        %parallel_loop3A_269 = vector.broadcast %parallel_loop3A_268 : i32 to vector<16xi32>
        %parallel_loop3A_270 = arith.addi %parallel_loop3A_266, %parallel_loop3A_269 : vector<16xi32>
        %parallel_loop3A_271 = tpu.vector_load_idx %arg6[%parallel_loop3A_264, %parallel_loop3A_270] : memref<32x128xf32, #tpu.memory_space<vmem>>[vector<16xi32>, vector<16xi32>], vector<16xf32>,
        %parallel_loop3A_272 = arith.index_cast %parallel_loop3A_196 : i32 to index
        %parallel_loop3A_273 = arith.constant 80 : index
        %parallel_loop3A_274 = tpu.vector_load %arg8[%parallel_loop3A_272, %parallel_loop3A_273] {strides = array<i32>} : memref<32x128xf32, #tpu.memory_space<vmem>>, vector<16xf32>,
        tpu.vector_store %arg8[%parallel_loop3A_272, %parallel_loop3A_273], %parallel_loop3A_271 {strides = array<i32>} : memref<32x128xf32, #tpu.memory_space<vmem>>, vector<16xf32>,
        %parallel_loop3A_275 = arith.constant 0 : i32
        %parallel_loop3A_276 = vector.broadcast %parallel_loop3A_275 : i32 to vector<16xi32>
        %parallel_loop3A_277 = arith.addi %iota3A, %parallel_loop3A_276 : vector<16xi32>
        %parallel_loop3A_278 = arith.constant 3 : i32
        %parallel_loop3A_279 = vector.broadcast %parallel_loop3A_278 : i32 to vector<16xi32>
        %parallel_loop3A_280 = arith.constant 4 : i32
        %parallel_loop3A_281 = arith.muli %parallel_loop3A_280, %parallel_loop3A_196 : i32
        %parallel_loop3A_282 = vector.broadcast %parallel_loop3A_281 : i32 to vector<16xi32>
        %parallel_loop3A_283 = arith.addi %parallel_loop3A_279, %parallel_loop3A_282 : vector<16xi32>
        %parallel_loop3A_284 = tpu.vector_load_idx %arg6[%parallel_loop3A_277, %parallel_loop3A_283] : memref<32x128xf32, #tpu.memory_space<vmem>>[vector<16xi32>, vector<16xi32>], vector<16xf32>,
        %parallel_loop3A_285 = arith.index_cast %parallel_loop3A_196 : i32 to index
        %parallel_loop3A_286 = arith.constant 96 : index
        %parallel_loop3A_287 = tpu.vector_load %arg8[%parallel_loop3A_285, %parallel_loop3A_286] {strides = array<i32>} : memref<32x128xf32, #tpu.memory_space<vmem>>, vector<16xf32>,
        tpu.vector_store %arg8[%parallel_loop3A_285, %parallel_loop3A_286], %parallel_loop3A_284 {strides = array<i32>} : memref<32x128xf32, #tpu.memory_space<vmem>>, vector<16xf32>,
        %parallel_loop3A_288 = arith.constant 16 : i32
        %parallel_loop3A_289 = vector.broadcast %parallel_loop3A_288 : i32 to vector<16xi32>
        %parallel_loop3A_290 = arith.addi %iota3A, %parallel_loop3A_289 : vector<16xi32>
        %parallel_loop3A_291 = arith.constant 3 : i32
        %parallel_loop3A_292 = vector.broadcast %parallel_loop3A_291 : i32 to vector<16xi32>
        %parallel_loop3A_293 = arith.constant 4 : i32
        %parallel_loop3A_294 = arith.muli %parallel_loop3A_293, %parallel_loop3A_196 : i32
        %parallel_loop3A_295 = vector.broadcast %parallel_loop3A_294 : i32 to vector<16xi32>
        %parallel_loop3A_296 = arith.addi %parallel_loop3A_292, %parallel_loop3A_295 : vector<16xi32>
        %parallel_loop3A_297 = tpu.vector_load_idx %arg6[%parallel_loop3A_290, %parallel_loop3A_296] : memref<32x128xf32, #tpu.memory_space<vmem>>[vector<16xi32>, vector<16xi32>], vector<16xf32>,
        %parallel_loop3A_298 = arith.index_cast %parallel_loop3A_196 : i32 to index
        %parallel_loop3A_299 = arith.constant 112 : index
        %parallel_loop3A_300 = tpu.vector_load %arg8[%parallel_loop3A_298, %parallel_loop3A_299] {strides = array<i32>} : memref<32x128xf32, #tpu.memory_space<vmem>>, vector<16xf32>,
        tpu.vector_store %arg8[%parallel_loop3A_298, %parallel_loop3A_299], %parallel_loop3A_297 {strides = array<i32>} : memref<32x128xf32, #tpu.memory_space<vmem>>, vector<16xf32>,
      } {sc.loop_unroll_factor = 8 : i64, sc.parallel_access}
      %mul3A_172 = arith.constant 32 : i32
      %mul3A_173 = arith.muli %mul3A_172, %add3A_156 : i32
      %add3A_174 = arith.addi %add3A, %mul3A_173 : i32
      %min3A_175 = arith.constant 20311 : i32
      %min3A_176 = arith.minsi %add3A_174, %min3A_175 : i32
      %mul3A_177 = arith.constant 32 : i32
      %mul3A_178 = arith.muli %mul3A_177, %min3A_176 : i32
      %dma_start3A_179 = arith.constant 0 : i32
      %dma_start3A_180 = tpu.memref_slice %arg4[%mul3A_178, %dma_start3A_179] : memref<650000x128xf32, #tpu.memory_space<hbm>> -> memref<32x128xf32, #tpu.memory_space<hbm>>
      %dma_start3A_181 = arith.constant 0 : i32
      %dma_start3A_182 = tpu.memref_slice %arg4[%mul3A_178, %dma_start3A_181] : memref<650000x128xf32, #tpu.memory_space<hbm>> -> memref<32x128xf32, #tpu.memory_space<hbm>>
      tpu.enqueue_dma source(%arg8 : memref<32x128xf32, #tpu.memory_space<vmem>>) target(%dma_start3A_182 : memref<32x128xf32, #tpu.memory_space<hbm>>) target_semaphore(%arg12 : memref<!tpu.dma_semaphore, #tpu.memory_space<semaphore_mem>>)
      %add3A_183 = arith.constant 2 : i32
      %add3A_184 = arith.addi %add3A_156, %add3A_183 : i32
      %mul3A_185 = arith.constant 32 : i32
      %mul3A_186 = arith.muli %mul3A_185, %add3A_184 : i32
      %add3A_187 = arith.addi %add3A, %mul3A_186 : i32
      %min3A_188 = arith.constant 20311 : i32
      %min3A_189 = arith.minsi %add3A_187, %min3A_188 : i32
      %mul3A_190 = arith.constant 128 : i32
      %mul3A_191 = arith.muli %mul3A_190, %min3A_189 : i32
      %dma_start3A_192 = arith.constant 0 : i32
      %dma_start3A_193 = tpu.memref_slice %arg2[%dma_start3A_192, %mul3A_191] : memref<32x2600000xf32, #tpu.memory_space<hbm>> -> memref<32x128xf32, #tpu.memory_space<hbm>>
      %dma_start3A_194 = arith.constant 0 : i32
      %dma_start3A_195 = tpu.memref_slice %arg2[%dma_start3A_194, %mul3A_191] : memref<32x2600000xf32, #tpu.memory_space<hbm>> -> memref<32x128xf32, #tpu.memory_space<hbm>>
      tpu.enqueue_dma source(%dma_start3A_195 : memref<32x128xf32, #tpu.memory_space<hbm>>) target(%arg6 : memref<32x128xf32, #tpu.memory_space<vmem>>) target_semaphore(%arg10 : memref<!tpu.dma_semaphore, #tpu.memory_space<semaphore_mem>>)
    }
    %scan3A_78 = arith.constant 317 : i32
    %dma_wait3A_79 = arith.constant 0 : i32
    %dma_wait3A_80 = arith.constant 0 : i32
    %dma_wait3A_81 = tpu.memref_slice %arg2[%dma_wait3A_79, %dma_wait3A_80] : memref<32x2600000xf32, #tpu.memory_space<hbm>> -> memref<32x128xf32, #tpu.memory_space<hbm>>
    %dma_wait3A_82 = arith.constant 0 : i32
    %dma_wait3A_83 = arith.constant 0 : i32
    %dma_wait3A_84 = tpu.memref_slice %arg2[%dma_wait3A_82, %dma_wait3A_83] : memref<32x2600000xf32, #tpu.memory_space<hbm>> -> memref<32x128xf32, #tpu.memory_space<hbm>>
    tpu.wait_dma2 semaphore(%arg9 : memref<!tpu.dma_semaphore, #tpu.memory_space<semaphore_mem>>) src(%dma_wait3A_84 : memref<32x128xf32, #tpu.memory_space<hbm>>) dst(%arg5 : memref<32x128xf32, #tpu.memory_space<vmem>>)
    %dma_wait3A_85 = arith.constant 0 : i32
    %dma_wait3A_86 = arith.constant 0 : i32
    %dma_wait3A_87 = tpu.memref_slice %arg4[%dma_wait3A_85, %dma_wait3A_86] : memref<650000x128xf32, #tpu.memory_space<hbm>> -> memref<32x128xf32, #tpu.memory_space<hbm>>
    %dma_wait3A_88 = arith.constant 0 : i32
    %dma_wait3A_89 = arith.constant 0 : i32
    %dma_wait3A_90 = tpu.memref_slice %arg4[%dma_wait3A_88, %dma_wait3A_89] : memref<650000x128xf32, #tpu.memory_space<hbm>> -> memref<32x128xf32, #tpu.memory_space<hbm>>
    tpu.wait_dma2 semaphore(%arg11 : memref<!tpu.dma_semaphore, #tpu.memory_space<semaphore_mem>>) src(%arg7 : memref<32x128xf32, #tpu.memory_space<vmem>>) dst(%dma_wait3A_90 : memref<32x128xf32, #tpu.memory_space<hbm>>)
    %dma_wait3A_91 = arith.constant 0 : i32
    %dma_wait3A_92 = arith.constant 0 : i32
    %dma_wait3A_93 = tpu.memref_slice %arg2[%dma_wait3A_91, %dma_wait3A_92] : memref<32x2600000xf32, #tpu.memory_space<hbm>> -> memref<32x128xf32, #tpu.memory_space<hbm>>
    %dma_wait3A_94 = arith.constant 0 : i32
    %dma_wait3A_95 = arith.constant 0 : i32
    %dma_wait3A_96 = tpu.memref_slice %arg2[%dma_wait3A_94, %dma_wait3A_95] : memref<32x2600000xf32, #tpu.memory_space<hbm>> -> memref<32x128xf32, #tpu.memory_space<hbm>>
    tpu.wait_dma2 semaphore(%arg10 : memref<!tpu.dma_semaphore, #tpu.memory_space<semaphore_mem>>) src(%dma_wait3A_96 : memref<32x128xf32, #tpu.memory_space<hbm>>) dst(%arg6 : memref<32x128xf32, #tpu.memory_space<vmem>>)
    %dma_wait3A_97 = arith.constant 0 : i32
    %dma_wait3A_98 = arith.constant 0 : i32
    %dma_wait3A_99 = tpu.memref_slice %arg4[%dma_wait3A_97, %dma_wait3A_98] : memref<650000x128xf32, #tpu.memory_space<hbm>> -> memref<32x128xf32, #tpu.memory_space<hbm>>
    %dma_wait3A_100 = arith.constant 0 : i32
    %dma_wait3A_101 = arith.constant 0 : i32
    %dma_wait3A_102 = tpu.memref_slice %arg4[%dma_wait3A_100, %dma_wait3A_101] : memref<650000x128xf32, #tpu.memory_space<hbm>> -> memref<32x128xf32, #tpu.memory_space<hbm>>
    tpu.wait_dma2 semaphore(%arg12 : memref<!tpu.dma_semaphore, #tpu.memory_space<semaphore_mem>>) src(%arg8 : memref<32x128xf32, #tpu.memory_space<vmem>>) dst(%dma_wait3A_102 : memref<32x128xf32, #tpu.memory_space<hbm>>)
    %eq3A = arith.constant 0 : i32
    %eq3A_103 = arith.cmpi eq, %add3A, %eq3A : i32
    %convert_element_type3A = arith.extui %eq3A_103 : i1 to i32
    %cond3A = arith.constant 0 : i32
    %cond3A_104 = arith.cmpi ne, %convert_element_type3A, %cond3A : i32
    scf.if %cond3A_104 {
      "tpu.region"() ({
        %run_scoped3A = tpu.sem_alloc : memref<!tpu.dma_semaphore, #tpu.memory_space<semaphore_mem>>
        %dma_start3A_105 = arith.constant 649984 : i32
        %dma_start3A_106 = arith.constant 0 : i32
        %dma_start3A_107 = tpu.memref_slice %arg4[%dma_start3A_105, %dma_start3A_106] : memref<650000x128xf32, #tpu.memory_space<hbm>> -> memref<16x128xf32, #tpu.memory_space<hbm>>
        tpu.enqueue_dma source(%arg3 : memref<16x128xf32, #tpu.memory_space<hbm>>) target(%dma_start3A_107 : memref<16x128xf32, #tpu.memory_space<hbm>>) target_semaphore(%run_scoped3A : memref<!tpu.dma_semaphore, #tpu.memory_space<semaphore_mem>>)
        %dma_wait3A_108 = arith.constant 649984 : i32
        %dma_wait3A_109 = arith.constant 0 : i32
        %dma_wait3A_110 = tpu.memref_slice %arg4[%dma_wait3A_108, %dma_wait3A_109] : memref<650000x128xf32, #tpu.memory_space<hbm>> -> memref<16x128xf32, #tpu.memory_space<hbm>>
        tpu.wait_dma2 semaphore(%run_scoped3A : memref<!tpu.dma_semaphore, #tpu.memory_space<semaphore_mem>>) src(%arg3 : memref<16x128xf32, #tpu.memory_space<hbm>>) dst(%dma_wait3A_110 : memref<16x128xf32, #tpu.memory_space<hbm>>)
        tpu.yield
      }) : () -> ()
    } else {
    }
    return
  }
}

</mosaic_0001>

<sc_bundles>
// kernel: _relayout_call.3.cloned.1.call-start
scs
__scs_entry_jumppad:
0x0: {  	(pc) =	sbr.rel $0x88, $3  }
0x1: {  	(tag) =	ssettag $0x0;
	lr =	simm.s32 $0x1  }
0x2: {  	[smem:$0x3F9F] =	sst lr;
	_ =	strace $0xD0000000  }
0x3: {  	_ = 	snop  }
0x4: {  	_ = 	snop  }
0x5: {  	_ = 	snop  }
0x6: {  	_ = 	snop  }
0x7: {  	_ = 	snop  }
__scs_overlays_trampoline_lowered:
0x8: {  	[smem:$0x3FAE] =	sst s0  }
0x9: {  	[smem:$0x3FAF] =	sst s1  }
0xa: {  	[smem:$0x3FB0] =	sst s2  }
0xb: {  	[smem:$0x3FB1] =	sst s3  }
0xc: {  	[smem:$0x3FB2] =	sst s4  }
0xd: {  	[smem:$0x3FB3] =	sst s5  }
0xe: {  	[smem:$0x3FB4] =	sst s6  }
0xf: {  	[smem:$0x3FB5] =	sst s7  }
0x10: {  	[smem:$0x3FB6] =	sst s8  }
0x11: {  	[smem:$0x3FB7] =	sst s9;
	s0 =	simm.s32 @!p0 $0x0  }
0x12: {  	s1 =	sld [smem:$0x3F9D];
	s0 =	simm.s32 @p0 $0x1  }
0x13: {  	[smem:$0x3FB8] =	sst s0;
	s0 =	simm.s32 @!p1 $0x0  }
0x14: {  	s2 =	sld [smem:$0x3F9C];
	s0 =	simm.s32 @p1 $0x1  }
0x15: {  	[smem:$0x3FB9] =	sst s0;
	s0 =	simm.s32 @!p2 $0x0  }
0x16: {  	s3 =	sld [smem:$0x3FDB];
	s0 =	simm.s32 @p2 $0x1  }
0x17: {  	s4 =	simm.s32 $0x1BF5;
	[smem:$0x3FBB] =	sst s0  }
0x18: {  	s0 =	sld [smem:$0x3F9E];
	_ =	swait.ge [sflag:s4], $0x0  }
0x19: {  	s7 =	sld [smem:$0x3F9F]  }
0x1a: {  	s8 =	sadd.s32 $0xFFFFE003, lr  }
0x1b: {  	s9 =	sadd.s32 $0xFFFFFEF7, lr;
	s5 =	simm.s32 $0xFFFFFFFF;
	p2 =	slt.u32 s8, $0xFFFFF086  }
0x1c: {  	p1 =	slt.u32 s9, $0xF7A;
	s5 =	simm.s32 @!p2 $0x0  }
0x1d: {  	s5 =	simm.s32 @p1 $0x1;
	p0 =	seq.s32 s7, s2  }
0x1e: {  	s7 =	smul.u32 @!p0 $0xF7A, s2;
	p2 =	seq.s32 @!p0 s5, $0x0  }
0x1f: {  	s9 =	smul.u32 $0xF7A, s1;
	s8 =	simm.s32 @!p0 $0x1BF5;
	p2 =	por !p2, p0  }
0x20: {  	[sflag:s8] =	ssyncset.s32 @!p0 $0xFFFFF086;
	s6 =	sadd.s32 @!p0 s3, s7;
	s7 =	simm.s32 @!p0 $0x108  }
0x21: {  	s3 =	sadd.s32 s3, s9;
	s6 =	sadd.s32 @!p0 $0x88, s6;
	s7 =	simm.s32 @p2 $0x1082  }
0x22: {  	[simem:s7], [sflag:s8] =	dma.local @!p0 [hbm:s6], $0xF7A  }
0x23: {  	s9 =	sor.u32 $0xD0000000, s2;
	s6 =	simm.s32 $0x108;
	_ =	swait.ge @!p0 [sflag:s8], $0x0  }
0x24: {  	s3 =	sadd.s32 $0x88, s3;
	s6 =	simm.s32 @!p1 $0x1082;
	[sflag:s4] =	ssyncset.s32 $0xFFFFF086  }
0x25: {  	[simem:s6], [sflag:s4] =	dma.local [hbm:s3], $0xF7A  }
0x26: {  	[smem:$0x3F9F] =	sst s1;
	(tag) =	ssettag s2;
	_ =	strace s9  }
0x27: {  	s1 =	sld [smem:$0x3FAF]  }
0x28: {  	s2 =	sld [smem:$0x3FB0]  }
0x29: {  	s4 =	sld [smem:$0x3FB2]  }
0x2a: {  	p0 =	seq.s32 s5, $0x0;
	s5 =	sld [smem:$0x3FB3]  }
0x2b: {  	s6 =	sld [smem:$0x3FB4]  }
0x2c: {  	s7 =	sld [smem:$0x3FB5]  }
0x2d: {  	s3 =	simm.s32 $0x108;
	s8 =	sld [smem:$0x3FB6]  }
0x2e: {  	s3 =	simm.s32 @!p0 $0x1082;
	s9 =	sld [smem:$0x3FB7]  }
0x2f: {  	lr =	sadd.s32 s0, s3;
	s0 =	sld [smem:$0x3FAE]  }
0x30: {  	s3 =	sld [smem:$0x3FB1]  }
0x31: {  	[smem:$0x3FBA] =	sst s10  }
0x32: {  	s10 =	sld [smem:$0x3FB8];
	_ =	sdelay $0x3  }
0x33: {  	p0 =	seq.s32 s10, $0x1;
	s10 =	sld [smem:$0x3FBA];
	_ =	sdelay $0x3  }
0x34: {  	[smem:$0x3FBA] =	sst s10  }
0x35: {  	s10 =	sld [smem:$0x3FB9];
	_ =	sdelay $0x3  }
0x36: {  	p1 =	seq.s32 s10, $0x1;
	s10 =	sld [smem:$0x3FBA];
	_ =	sdelay $0x3  }
0x37: {  	[smem:$0x3FBA] =	sst s10  }
0x38: {  	s10 =	sld [smem:$0x3FBB]  }
0x39: {  	_ = 	snop;
	(pc) =	sbr.ind lr, $3  }
0x3a: {  	_ = 	snop  }
0x3b: {  	_ = 	snop  }
0x3c: {  	p2 =	seq.s32 s10, $0x1;
	s10 =	sld [smem:$0x3FBA]  }
0x3d: {  	_ =	shalt  }
0x3e: {  	_ =	shalt  }
0x3f: {  	_ =	shalt  }
0x40: {  	_ =	shalt  }
0x41: {  	_ =	shalt  }
0x42: {  	_ =	shalt  }
0x43: {  	_ =	shalt  }
0x44: {  	_ =	shalt  }
0x45: {  	_ =	shalt  }
0x46: {  	_ =	shalt  }
0x47: {  	_ =	shalt  }
0x48: {  	_ =	shalt  }
0x49: {  	_ =	shalt  }
0x4a: {  	_ =	shalt  }
0x4b: {  	_ =	shalt  }
0x4c: {  	_ =	shalt  }
0x4d: {  	_ =	shalt  }
0x4e: {  	_ =	shalt  }
0x4f: {  	_ =	shalt  }
0x50: {  	_ =	shalt  }
0x51: {  	_ =	shalt  }
0x52: {  	_ =	shalt  }
0x53: {  	_ =	shalt  }
0x54: {  	_ =	shalt  }
0x55: {  	_ =	shalt  }
0x56: {  	_ =	shalt  }
0x57: {  	_ =	shalt  }
0x58: {  	_ =	shalt  }
0x59: {  	_ =	shalt  }
0x5a: {  	_ =	shalt  }
0x5b: {  	_ =	shalt  }
0x5c: {  	_ =	shalt  }
0x5d: {  	_ =	shalt  }
0x5e: {  	_ =	shalt  }
0x5f: {  	_ =	shalt  }
0x60: {  	_ =	shalt  }
0x61: {  	_ =	shalt  }
0x62: {  	_ =	shalt  }
0x63: {  	_ =	shalt  }
0x64: {  	_ =	shalt  }
0x65: {  	_ =	shalt  }
0x66: {  	_ =	shalt  }
0x67: {  	_ =	shalt  }
0x68: {  	_ =	shalt  }
0x69: {  	_ =	shalt  }
0x6a: {  	_ =	shalt  }
0x6b: {  	_ =	shalt  }
0x6c: {  	_ =	shalt  }
0x6d: {  	_ =	shalt  }
0x6e: {  	_ =	shalt  }
0x6f: {  	_ =	shalt  }
0x70: {  	_ =	shalt  }
0x71: {  	_ =	shalt  }
0x72: {  	_ =	shalt  }
0x73: {  	_ =	shalt  }
0x74: {  	_ =	shalt  }
0x75: {  	_ =	shalt  }
0x76: {  	_ =	shalt  }
0x77: {  	_ =	shalt  }
0x78: {  	_ =	shalt  }
0x79: {  	_ =	shalt  }
0x7a: {  	_ =	shalt  }
0x7b: {  	_ =	shalt  }
0x7c: {  	_ =	shalt  }
0x7d: {  	_ =	shalt  }
0x7e: {  	_ =	shalt  }
0x7f: {  	_ =	shalt  }
0x80: {  	_ =	shalt  }
0x81: {  	_ =	shalt  }
0x82: {  	_ =	shalt  }
0x83: {  	_ =	shalt  }
0x84: {  	_ =	shalt  }
0x85: {  	_ =	shalt  }
0x86: {  	_ =	shalt  }
0x87: {  	_ =	shalt  }
.Lfunc_end0:
.L_simem_size_0:
called_computation_lowered:
.L_overlay_start_0:
0x88: {  	s2 =	sld [smem:$0x3FD9]  }
0x89: {  	s3 =	sld [smem:$0x3FFE];
	_ =	sdelay $0x1  }
0x8a: {  	s1 =	srdreg.scid  }
0x8b: {  	s0 =	sand.u32 $0x1, s1  }
0x8c: {  	s18 =	sshll.u32 s0, $0xA;
	s2 =	sadd.s32 s3, s2  }
0x8d: {  	s2 =	sadd.s32 s2, s18  }
0x8e: {  	[smem:$0x3FC6] =	sst s2  }
0x8f: {  	_ = 	snop  }
0x90: {  	s2 =	sld [smem:$0x3FC9]  }
0x91: {  	s19 =	sld [smem:$0x3FC8]  }
0x92: {  	s4 =	sld [smem:$0x3FD0];
	(tm) =	ssettm $0x1  }
0x93: {  	s5 =	sld [smem:$0x3FFB];
	_ =	sdelay $0x3  }
0x94: {  	_ =	strace s5  }
0x95: {  	s5 =	sld [smem:$0x3FFC];
	_ =	sdelay $0x3  }
0x96: {  	_ =	strace s5  }
0x97: {  	s5 =	sld [smem:$0x3FFD];
	_ =	sdelay $0x3  }
0x98: {  	_ =	strace s5  }
0x99: {  	_ =	strace $0x8FFFFFFF  }
0x9a: {  	s20 =	sld [smem:$0x3FDB];
	_ =	sdelay $0x1  }
0x9b: {  	s6 =	simm.s32 $_scs_section_size  }
0x9c: {  	s7 =	simm.s32 $_size__tile_overlayer_lowered;
	s8 =	simm.s32 $_tile_overlayer_lowered  }
0x9d: {  	s23 =	simm.s32 $0x1BFF;
	s22 =	sshll.u32 s8, $0x1;
	s5 =	sadd.s32 s6, s20  }
0x9e: {  	s9 =	simm.s32 $0x0;
	s21 =	sshll.u32 s7, $0x1;
	s7 =	sadd.s32 s22, s5  }
0x9f: {  	[timem:s9], [sflag:s23] =	dma.local [hbm:s7], s21  }
0xa0: {  	_ =	swait.ge [sflag:s23], s21  }
0xa1: {  	s6 =	ssub.s32 $0x0, s21;
	[sflag:s23] =	ssyncset.done $0x0  }
0xa2: {  	[sflag:s23] =	ssyncadd.s32 s6;
	_ =	sdelay $0x1  }
0xa3: {  	s24 =	simm.s32 $0x1B8B  }
0xa4: {  	_ =	swait.ge [sflag:s24], $0x1  }
0xa5: {  	[sflag:s24] =	ssyncset.done $0x0  }
0xa6: {  	s25 =	simm.s32 $0x1B8E;
	[sflag:s24] =	ssyncadd.s32 $0xFFFFFFFF  }
0xa7: {  	s26 =	simm.s32 $execute0_lowered;
	[smem:$0x3FD2] =	sst s25  }
0xa8: {  	s6 =	sshll.u32 s26, $0x1;
	_ =	strace $0x80000046;
	[dreg:$0x1] =	wrdreg $0xFFFFFFFF  }
0xa9: {  	s28 =	simm.s32 $_size_execute0_lowered;
	s5 =	sadd.s32 s5, s6;
	[dreg:$0x0] =	wrdreg $0x0  }
0xaa: {  	s6 =	sshll.u32 s28, $0x1;
	[dreg:$0x2] =	wrdreg s5  }
0xab: {  	[dreg:$0x3] =	wrdreg s6  }
0xac: {  	[dreg:$0x4] =	wrdreg $0xC0  }
0xad: {  	_ =	task [dreg:s9], $0x5FFFF  }
0xae: {  	[dreg:$0x1] =	wrdreg $0xFFFFFFFF  }
0xaf: {  	[dreg:$0x0] =	wrdreg $0x60  }
0xb0: {  	[dreg:$0x2] =	wrdreg s2  }
0xb1: {  	[dreg:$0x3] =	wrdreg s19  }
0xb2: {  	[dreg:$0x4] =	wrdreg s4  }
0xb3: {  	[dreg:$0x5] =	wrdreg $0x9  }
0xb4: {  	_ =	task.clear_ibuf [dreg:s9], $0x6FFFF;
	_ =	strace $0x90000046  }
0xb5: {  	s29 =	simm.s32 $0x9;
	_ =	strace $0x80000048  }
0xb6: {  	_ =	swait.ge [sflag:s29], $0x1  }
0xb7: {  	[sflag:s29] =	ssyncadd.s32 $0xFFFFFFFF  }
0xb8: {  	_ =	strace $0x90000048  }
0xb9: {  	_ =	sfence  }
0xba: {  	s30 =	sld [smem:$0x0];
	_ =	sdelay $0x2  }
0xbb: {  	s31 =	sshll.u32 s1, $0xD;
	s1 =	sshrl.u32 s1, $0x2  }
0xbc: {  	s3 =	sand.u32 $0x4000, s31;
	s1 =	sadd.s32 s1, s30  }
0xbd: {  	s0 =	sor.u32 s3, s0;
	s1 =	sshll.u32 s1, $0x11  }
0xbe: {  	s0 =	sor.u32 s1, s0  }
0xbf: {  	s0 =	sadd.s32 $0x8F2B, s0  }
0xc0: {  	[sflag:s0] =	ssyncadd.remote.s32 $0x1  }
0xc1: {  	_ =	sfence.sel $0xFFFF  }
0xc2: {  	[dreg:$0x0] =	wrdreg $0xFFFFFFFF;
	(pc) =	sbr.abs _section_cstart, $3  }
0xc3: {  	[dreg:$0x1] =	wrdreg $0xFFFFFFFF  }
0xc4: {  	_ =	task.clear_ibuf [dreg:s9], $0x2FFFF;
	_ =	strace $0x9FFFFFFF  }
0xc5: {  	(tm) =	ssettm $0x7FFFFFFF  }
tec
execute0_lowered:
.L_overlay_start_1:
0x0: {  	(tag) =	ssettag $0x1  }
0x1: {  	s13 =	rddreg [dreg:$0x0]  }
0x2: {  	s4 =	rddreg [dreg:$0x2];
	s0 =	srdreg.scid  }
0x3: {  	s5 =	simm.s32 $0x0;
	s2 =	stileid.u32;
	s17 =	simm.s32 $0x400  }
0x4: {  	s18 =	simm.s32 $0x13D6400;
	s19 =	simm.s32 $0x1000;
	s0 =	sand.u32 $0x1, s0  }
0x5: {  	[smem:$0x7FF] =	sst s5;
	s2 =	sshll.u32 s2, $0x1;
	s31 =	sadd.s32 $0x9EB000, s4  }
0x6: {  	s1 =	ssub.s32 $0x2, s0;
	_ =	strace $0x80000047;
	s6 =	sor.u32 s0, s2  }
0x7: {  	[dreg:$0xd] =	wrdreg s31;
	s3 =	sshrl.u32 s1, $0x1;
	s21 =	sshll.u32 s6, $0x7  }
0x8: {  	s2 =	sor.u32 $0x20, s6;
	s29 =	sor.u32 $0x40, s6;
	[dreg:$0x4] =	wrdreg s6  }
0x9: {  	s23 =	sshll.u32 s6, $0x9;
	s30 =	sor.u32 $0x60, s6;
	[dreg:$0xb] =	wrdreg s29  }
0xa: {  	p0 =	sne.s32 s6, $0x0;
	s24 =	sadd.s32 s4, s23;
	[dreg:$0xc] =	wrdreg s30  }
0xb: {  	s7 =	sadd.s32 s13, s21;
	s22 =	sshll.u32 s2, $0x7;
	[dreg:$0x7] =	wrdreg s24  }
0xc: {  	v0 =	vlaneseq.u32;
	s20 =	ssub.s32 s1, s3;
	s1 =	sadd.s32 s13, s22;
	[dreg:$0x5] =	wrdreg s7  }
0xd: {  	v0 =	vmul.u32 $0x80, v0;
	s25 =	sshll.u32 s2, $0x9;
	s26 =	sadd.s32 $0x2000, s7;
	[dreg:$0x6] =	wrdreg s1  }
0xe: {  	s2 =	simm.s32 $0x0;
	s28 =	sadd.s32 $0x3000, s7;
	[dreg:$0x8] =	wrdreg s26  }
0xf: {  	v1 =	vor.u32 $0x800, v0;
	s0 =	smax.u32 s20, $0x1;
	s20 =	simm.s32 $0x1;
	[dreg:$0xa] =	wrdreg s28  }
0x10: {  	v2 =	vor.u32 $0x1, v0;
	v3 =	vor.u32 $0x801, v0;
	v4 =	vor.u32 $0x2, v0;
	s22 =	simm.s32 $0x2;
	s1 =	sadd.s32 s4, s25;
	[dreg:$0xe] =	wrdreg s0  }
0x11: {  	v5 =	vor.u32 $0x802, v0;
	v6 =	vor.u32 $0x3, v0;
	v7 =	vor.u32 $0x803, v0;
	s24 =	simm.s32 $0x3;
	s25 =	simm.s32 $0x4;
	[dreg:$0x9] =	wrdreg s1  }
.LBB2_1:
0x12: {  	[dreg:$0xf] =	wrdreg s2  }
0x13: {  	s0 =	rddreg [dreg:$0x5];
	s1 =	simm.s32 $0x14  }
0x14: {  	[tilespmem:s5], [sflag:$0x1] =	stream.strided.gather [hbm4b:s0+s17], $0x1000, s18, s17, $0x38;
	[tilespmem:$0x4000] =	vst v63  }
0x15: {  	s31 =	rddreg [dreg:$0x6];
	v8 =	vor.u32 s1, v0  }
0x16: {  	[tilespmem:s19], [sflag:$0x2] =	stream.strided.gather [hbm4b:s31+s17], $0x1000, s18, s17, $0x38;
	[tilespmem:$0x4000] =	vst v63  }
0x17: {  	_ =	swait.ge [sflag:s20], $0x1000  }
0x18: {  	s11 =	simm.s32 $0xC;
	[sflag:s20] =	ssyncset.done $0x0  }
0x19: {  	v10 =	vor.u32 s11, v0;
	[sflag:s20] =	ssyncadd.s32 $0xFFFFF000  }
0x1a: {  	v11 =	vor.u32 s5, v0;
	v8 =	vld.idx.msk [tilespmem:v8+s5+$0x0], $0xffff  }
0x1b: {  	s2 =	simm.s32 $0x18;
	v9 =	vor.u32 s1, v1  }
0x1c: {  	v12 =	vor.u32 s2, v0;
	_ =	sdelay $0x1  }
0x1d: {  	s9 =	simm.s32 $0x1C;
	s0 =	simm.s32 $0x2200;
	v10 =	vld.idx.msk [tilespmem:v10+s5+$0x0], $0xffff  }
0x1e: {  	v15 =	vor.u32 s9, v0;
	v11 =	vld.idx.msk [tilespmem:v11+s5+$0x0], $0xffff;
	[tilespmem:s0+$0x80] =	vst v8  }
0x1f: {  	v16 =	vor.u32 s5, v1;
	v9 =	vld.idx.msk [tilespmem:v9+s5+$0x0], $0xffff  }
0x20: {  	v13 =	vor.u32 s1, v2;
	v12 =	vld.idx.msk [tilespmem:v12+s5+$0x0], $0xffff  }
0x21: {  	v14 =	vor.u32 s11, v1  }
0x22: {  	s3 =	simm.s32 $0x8;
	v17 =	vor.u32 s2, v1;
	[tilespmem:s0+$0xFFFFFF80] =	vst v10  }
0x23: {  	s8 =	simm.s32 $0x4;
	v8 =	vor.u32 s3, v0;
	[tilespmem:s0+$0xFFFFFE00] =	vst v11;
	v11 =	vld.idx.msk [tilespmem:v15+s5+$0x0], $0xffff  }
0x24: {  	s10 =	simm.s32 $0x10;
	v16 =	vld.idx.msk [tilespmem:v16+s5+$0x0], $0xffff;
	[tilespmem:s0+$0x90] =	vst v9;
	v9 =	vor.u32 s8, v0  }
0x25: {  	[tilespmem:s0+$0x100] =	vst v12;
	v12 =	vor.u32 s10, v0;
	v10 =	vld.idx.msk [tilespmem:v13+s5+$0x0], $0xffff  }
0x26: {  	v18 =	vor.u32 s9, v1;
	v13 =	vld.idx.msk [tilespmem:v14+s5+$0x0], $0xffff  }
0x27: {  	v15 =	vor.u32 s11, v2;
	v17 =	vld.idx.msk [tilespmem:v17+s5+$0x0], $0xffff  }
0x28: {  	v8 =	vld.idx.msk [tilespmem:v8+s5+$0x0], $0xffff;
	v14 =	vor.u32 s1, v3  }
0x29: {  	v19 =	vor.u32 s5, v2;
	[tilespmem:s0+$0x180] =	vst v11;
	v9 =	vld.idx.msk [tilespmem:v9+s5+$0x0], $0xffff  }
0x2a: {  	v12 =	vld.idx.msk [tilespmem:v12+s5+$0x0], $0xffff;
	[tilespmem:s0+$0xA0] =	vst v10;
	v10 =	vor.u32 s8, v1  }
0x2b: {  	v18 =	vld.idx.msk [tilespmem:v18+s5+$0x0], $0xffff;
	[tilespmem:s0+$0xFFFFFF90] =	vst v13;
	v13 =	vor.u32 s3, v1  }
0x2c: {  	v20 =	vor.u32 s9, v2;
	[tilespmem:s0+$0xFFFFFE10] =	vst v16;
	v11 =	vld.idx.msk [tilespmem:v15+s5+$0x0], $0xffff  }
0x2d: {  	[tilespmem:s0+$0xFFFFFF00] =	vst v8;
	v14 =	vld.idx.msk [tilespmem:v14+s5+$0x0], $0xffff;
	v15 =	vor.u32 s11, v3  }
0x2e: {  	v16 =	vor.u32 s1, v4;
	[tilespmem:s0+$0xFFFFFE80] =	vst v9;
	v9 =	vld.idx.msk [tilespmem:v19+s5+$0x0], $0xffff  }
0x2f: {  	[tilespmem:s0+$0x0] =	vst v12;
	v19 =	vor.u32 s10, v1;
	v8 =	vld.idx.msk [tilespmem:v10+s5+$0x0], $0xffff  }
0x30: {  	[tilespmem:s0+$0x190] =	vst v18;
	v10 =	vld.idx.msk [tilespmem:v13+s5+$0x0], $0xffff;
	v13 =	vor.u32 s5, v3  }
0x31: {  	v12 =	vld.idx.msk [tilespmem:v20+s5+$0x0], $0xffff;
	[tilespmem:s0+$0xFFFFFFA0] =	vst v11;
	v11 =	vor.u32 s2, v2  }
0x32: {  	[tilespmem:s0+$0xB0] =	vst v14;
	v14 =	vld.idx.msk [tilespmem:v15+s5+$0x0], $0xffff;
	v15 =	vor.u32 s3, v2  }
0x33: {  	v18 =	vor.u32 s11, v4;
	v16 =	vld.idx.msk [tilespmem:v16+s5+$0x0], $0xffff  }
0x34: {  	v20 =	vor.u32 s1, v5;
	v19 =	vld.idx.msk [tilespmem:v19+s5+$0x0], $0xffff;
	[tilespmem:s0+$0xFFFFFE20] =	vst v9  }
0x35: {  	[tilespmem:s0+$0x110] =	vst v17;
	v17 =	vor.u32 s9, v3;
	v13 =	vld.idx.msk [tilespmem:v13+s5+$0x0], $0xffff  }
0x36: {  	v21 =	vor.u32 s10, v2;
	[tilespmem:s0+$0xFFFFFF10] =	vst v10;
	v11 =	vld.idx.msk [tilespmem:v11+s5+$0x0], $0xffff  }
0x37: {  	v10 =	vor.u32 s2, v3;
	v9 =	vld.idx.msk [tilespmem:v15+s5+$0x0], $0xffff;
	[tilespmem:s0+$0xFFFFFFB0] =	vst v14  }
0x38: {  	v14 =	vor.u32 s5, v4;
	[tilespmem:s0+$0xC0] =	vst v16;
	v15 =	vld.idx.msk [tilespmem:v18+s5+$0x0], $0xffff  }
0x39: {  	[tilespmem:s0+$0x1A0] =	vst v12;
	v18 =	vld.idx.msk [tilespmem:v20+s5+$0x0], $0xffff;
	v20 =	vor.u32 s11, v5  }
0x3a: {  	v16 =	vor.u32 s8, v2;
	[tilespmem:s0+$0x10] =	vst v19;
	v19 =	vld.idx.msk [tilespmem:v17+s5+$0x0], $0xffff  }
0x3b: {  	v22 =	vor.u32 s1, v6;
	v21 =	vld.idx.msk [tilespmem:v21+s5+$0x0], $0xffff;
	[tilespmem:s0+$0x120] =	vst v11  }
0x3c: {  	v23 =	vor.u32 s9, v4;
	[tilespmem:s0+$0xFFFFFE30] =	vst v13;
	v13 =	vld.idx.msk [tilespmem:v10+s5+$0x0], $0xffff  }
0x3d: {  	v11 =	vor.u32 s10, v3;
	v12 =	vld.idx.msk [tilespmem:v14+s5+$0x0], $0xffff;
	[tilespmem:s0+$0xFFFFFFC0] =	vst v15  }
0x3e: {  	[tilespmem:s0+$0xFFFFFE90] =	vst v8;
	v15 =	vld.idx.msk [tilespmem:v20+s5+$0x0], $0xffff;
	v20 =	vor.u32 s3, v3  }
0x3f: {  	v14 =	vld.idx.msk [tilespmem:v16+s5+$0x0], $0xffff;
	[tilespmem:s0+$0xD0] =	vst v18  }
0x40: {  	s28 =	simm.s32 $0x0;
	v8 =	vor.u32 s1, v7;
	v17 =	vor.u32 s8, v3;
	v16 =	vld.idx.msk [tilespmem:v22+s5+$0x0], $0xffff;
	[tilespmem:s0+$0x1B0] =	vst v19  }
0x41: {  	s15 =	simm.s32 $0x20;
	s29 =	simm.s32 $0x2600;
	s12 =	simm.s32 $0x0;
	v10 =	vor.u32 s10, v4;
	v18 =	vor.u32 s11, v6;
	[tilespmem:s0+$0x20] =	vst v21;
	v19 =	vld.idx.msk [tilespmem:v23+s5+$0x0], $0xffff  }
.LBB2_2:
0x42: {  	v21 =	vor.u32 s15, v0;
	s16 =	sadd.s32 $0x4, s15;
	s1 =	sadd.s32 $0x10, s15;
	s21 =	sadd.s32 $0x18, s15;
	[tilespmem:s0+$0xFFFFFF20] =	vst v9;
	v22 =	vld.idx.msk [tilespmem:v11+s5+$0x0], $0xffff;
	v23 =	vor.u32 s9, v5  }
0x43: {  	s23 =	sadd.s32 $0x8, s15;
	s7 =	sadd.s32 $0x14, s15;
	s4 =	sadd.s32 $0x1C, s15;
	v11 =	vor.u32 s16, v0;
	v9 =	vor.u32 s1, v0;
	v24 =	vor.u32 s21, v0;
	v20 =	vld.idx.msk [tilespmem:v20+s5+$0x0], $0xffff  }
0x44: {  	s6 =	sadd.s32 $0xC, s15;
	s28 =	sadd.s32 $0x8, s28;
	v25 =	vor.u32 s23, v0;
	v26 =	vor.u32 s7, v0;
	v27 =	vor.u32 s4, v0;
	[tilespmem:s0+$0xFFFFFEA0] =	vst v14  }
0x45: {  	v28 =	vor.u32 s7, v7;
	p1 =	slt.u32 s28, $0x18;
	v14 =	vor.u32 s6, v0;
	v17 =	vld.idx.msk [tilespmem:v17+s5+$0x0], $0xffff;
	[tilespmem:s0+$0xFFFFFFD0] =	vst v15  }
0x46: {  	v29 =	vor.u32 s3, v4;
	v18 =	vld.idx.msk [tilespmem:v18+s5+$0x0], $0xffff;
	[tilespmem:s0+$0xE0] =	vst v16  }
0x47: {  	v30 =	vor.u32 s8, v4;
	v31 =	vld.idx.msk [tilespmem:v8+s5+$0x0], $0xffff;
	[tilespmem:s0+$0x1C0] =	vst v19;
	v8 =	vmov v28  }
0x48: {  	v19 =	vld.idx.msk [tilespmem:v21+s5+$0x0], $0xffff;
	v21 =	vor.u32 s11, v7;
	[tilespmem:s0+$0x30] =	vst v22;
	s11 =	smov.u32 s6  }
0x49: {  	v22 =	vor.u32 s15, v1;
	[tilespmem:s0+$0xFFFFFF30] =	vst v20;
	v20 =	vld.idx.msk [tilespmem:v23+s5+$0x0], $0xffff  }
0x4a: {  	v15 =	vor.u32 s16, v1;
	[tilespmem:s0+$0xFFFFFE40] =	vst v12;
	v10 =	vld.idx.msk [tilespmem:v10+s5+$0x0], $0xffff  }
0x4b: {  	v16 =	vor.u32 s4, v1;
	[tilespmem:s0+$0xFFFFFEB0] =	vst v17;
	v23 =	vld.idx.msk [tilespmem:v29+s5+$0x0], $0xffff  }
0x4c: {  	v12 =	vor.u32 s1, v1;
	v28 =	vld.idx.msk [tilespmem:v30+s5+$0x0], $0xffff;
	[tilespmem:s0+$0xFFFFFFE0] =	vst v18;
	v18 =	vor.u32 s10, v5  }
0x4d: {  	v29 =	vor.u32 s7, v1;
	v21 =	vld.idx.msk [tilespmem:v21+s5+$0x0], $0xffff;
	[tilespmem:s0+$0xF0] =	vst v31  }
0x4e: {  	[tilespmem:s29+$0xFFFFFE00] =	vst v19;
	v19 =	vld.idx.msk [tilespmem:v26+s5+$0x0], $0xffff;
	v26 =	vor.u32 s3, v5  }
0x4f: {  	v17 =	vor.u32 s23, v1;
	v30 =	vor.u32 s2, v4;
	v25 =	vld.idx.msk [tilespmem:v25+s5+$0x0], $0xffff;
	[tilespmem:s0+$0x1D0] =	vst v20  }
0x50: {  	v31 =	vor.u32 s9, v6;
	v20 =	vor.u32 s11, v1;
	v27 =	vld.idx.msk [tilespmem:v27+s5+$0x0], $0xffff;
	[tilespmem:s0+$0x40] =	vst v10  }
0x51: {  	v32 =	vor.u32 s15, v2;
	v10 =	vor.u32 s16, v2;
	[tilespmem:s0+$0xFFFFFF40] =	vst v23;
	v23 =	vld.idx.msk [tilespmem:v18+s5+$0x0], $0xffff  }
0x52: {  	v18 =	vor.u32 s4, v2;
	v33 =	vld.idx.msk [tilespmem:v14+s5+$0x0], $0xffff;
	[tilespmem:s0+$0xFFFFFEC0] =	vst v28  }
0x53: {  	v14 =	vor.u32 s1, v2;
	v28 =	vor.u32 s12, v5;
	v26 =	vld.idx.msk [tilespmem:v26+s5+$0x0], $0xffff;
	[tilespmem:s0+$0x130] =	vst v13  }
0x54: {  	v34 =	vor.u32 s8, v5;
	[tilespmem:s29+$0x80] =	vst v19;
	v19 =	vor.u32 s7, v2;
	v30 =	vld.idx.msk [tilespmem:v30+s5+$0x0], $0xffff  }
0x55: {  	v35 =	vor.u32 s21, v1;
	[tilespmem:s0+$0xFFFFFFF0] =	vst v21;
	v21 =	vor.u32 s10, v6;
	v31 =	vld.idx.msk [tilespmem:v31+s5+$0x0], $0xffff  }
0x56: {  	v13 =	vor.u32 s23, v2;
	v24 =	vld.idx.msk [tilespmem:v24+s5+$0x0], $0xffff;
	[tilespmem:s29+$0x180] =	vst v27;
	v27 =	vor.u32 s2, v5  }
0x57: {  	v36 =	vor.u32 s11, v2;
	v29 =	vld.idx.msk [tilespmem:v29+s5+$0x0], $0xffff;
	[tilespmem:s0+$0x50] =	vst v23;
	v23 =	vor.u32 s9, v7;
	s9 =	smov.u32 s4  }
0x58: {  	[tilespmem:s29+$0xFFFFFF00] =	vst v25;
	v25 =	vld.idx.msk [tilespmem:v28+s5+$0x0], $0xffff;
	v28 =	vor.u32 s3, v6  }
0x59: {  	v34 =	vld.idx.msk [tilespmem:v34+s5+$0x0], $0xffff;
	[tilespmem:s0+$0xFFFFFF50] =	vst v26  }
0x5a: {  	v21 =	vld.idx.msk [tilespmem:v21+s5+$0x0], $0xffff;
	[tilespmem:s0+$0x140] =	vst v30  }
0x5b: {  	v26 =	vor.u32 s12, v6;
	v27 =	vld.idx.msk [tilespmem:v27+s5+$0x0], $0xffff;
	[tilespmem:s0+$0x1E0] =	vst v31  }
0x5c: {  	v30 =	vor.u32 s8, v6;
	[tilespmem:s29+$0xFFFFFF80] =	vst v33;
	v23 =	vld.idx.msk [tilespmem:v23+s5+$0x0], $0xffff  }
0x5d: {  	[tilespmem:s29+$0x90] =	vst v29;
	v28 =	vld.idx.msk [tilespmem:v28+s5+$0x0], $0xffff  }
0x5e: {  	v19 =	vld.idx.msk [tilespmem:v19+s5+$0x0], $0xffff;
	[tilespmem:s0+$0xFFFFFE50] =	vst v25;
	v25 =	vor.u32 s2, v6  }
0x5f: {  	v29 =	vor.u32 s10, v7;
	s10 =	smov.u32 s1;
	v22 =	vld.idx.msk [tilespmem:v22+s5+$0x0], $0xffff;
	[tilespmem:s0+$0xFFFFFED0] =	vst v34  }
0x60: {  	v26 =	vld.idx.msk [tilespmem:v26+s5+$0x0], $0xffff;
	[tilespmem:s0+$0x60] =	vst v21  }
0x61: {  	v21 =	vld.idx.msk [tilespmem:v30+s5+$0x0], $0xffff;
	v30 =	vor.u32 s3, v7;
	[tilespmem:s0+$0x150] =	vst v27;
	s3 =	smov.u32 s23  }
0x62: {  	v27 =	vor.u32 s7, v3;
	v20 =	vld.idx.msk [tilespmem:v20+s5+$0x0], $0xffff;
	[tilespmem:s0+$0x1F0] =	vst v23  }
0x63: {  	[tilespmem:s29+$0x100] =	vst v24;
	v23 =	vld.idx.msk [tilespmem:v25+s5+$0x0], $0xffff  }
0x64: {  	[tilespmem:s29+$0xA0] =	vst v19;
	v19 =	vld.idx.msk [tilespmem:v29+s5+$0x0], $0xffff  }
0x65: {  	v25 =	vor.u32 s2, v7;
	s2 =	smov.u32 s21;
	v24 =	vld.idx.msk [tilespmem:v35+s5+$0x0], $0xffff;
	[tilespmem:s0+$0xFFFFFF60] =	vst v28  }
0x66: {  	v28 =	vor.u32 s8, v7;
	s8 =	smov.u32 s16;
	[tilespmem:s29+$0xFFFFFE10] =	vst v22;
	v22 =	vor.u32 s12, v7;
	v29 =	vld.idx.msk [tilespmem:v30+s5+$0x0], $0xffff;
	s12 =	smov.u32 s15  }
0x67: {  	v27 =	vld.idx.msk [tilespmem:v27+s5+$0x0], $0xffff;
	[tilespmem:s0+$0xFFFFFEE0] =	vst v21  }
0x68: {  	v11 =	vld.idx.msk [tilespmem:v11+s5+$0x0], $0xffff;
	[tilespmem:s29+$0xFFFFFF90] =	vst v20  }
0x69: {  	v20 =	vld.idx.msk [tilespmem:v36+s5+$0x0], $0xffff;
	[tilespmem:s0+$0x160] =	vst v23  }
0x6a: {  	[tilespmem:s0+$0xFFFFFE60] =	vst v26;
	v21 =	vld.idx.msk [tilespmem:v25+s5+$0x0], $0xffff  }
0x6b: {  	v22 =	vld.idx.msk [tilespmem:v22+s5+$0x0], $0xffff;
	[tilespmem:s0+$0x70] =	vst v19  }
0x6c: {  	v19 =	vld.idx.msk [tilespmem:v28+s5+$0x0], $0xffff;
	[tilespmem:s0+$0xFFFFFF70] =	vst v29  }
0x6d: {  	v23 =	vor.u32 s11, v3;
	[tilespmem:s29+$0xB0] =	vst v27;
	v16 =	vld.idx.msk [tilespmem:v16+s5+$0x0], $0xffff  }
0x6e: {  	[tilespmem:s29+$0xFFFFFE80] =	vst v11;
	v9 =	vld.idx.msk [tilespmem:v9+s5+$0x0], $0xffff;
	v11 =	vor.u32 s7, v4  }
0x6f: {  	v25 =	vld.idx.msk [tilespmem:v32+s5+$0x0], $0xffff;
	[tilespmem:s29+$0xFFFFFFA0] =	vst v20  }
0x70: {  	v15 =	vld.idx.msk [tilespmem:v15+s5+$0x0], $0xffff;
	[tilespmem:s0+$0x170] =	vst v21  }
0x71: {  	v20 =	vor.u32 s2, v2;
	v17 =	vld.idx.msk [tilespmem:v17+s5+$0x0], $0xffff;
	[tilespmem:s0+$0xFFFFFE70] =	vst v22  }
0x72: {  	v21 =	vor.u32 s15, v3;
	v22 =	vld.idx.msk [tilespmem:v23+s5+$0x0], $0xffff;
	[tilespmem:s0+$0xFFFFFEF0] =	vst v19;
	s0 =	smov.u32 s29  }
0x73: {  	v11 =	vld.idx.msk [tilespmem:v11+s5+$0x0], $0xffff;
	[tilespmem:s29+$0x190] =	vst v16  }
0x74: {  	v16 =	vor.u32 s11, v4;
	[tilespmem:s29+$0x0] =	vst v9;
	v18 =	vld.idx.msk [tilespmem:v18+s5+$0x0], $0xffff  }
0x75: {  	v19 =	vor.u32 s7, v5;
	v12 =	vld.idx.msk [tilespmem:v12+s5+$0x0], $0xffff;
	[tilespmem:s29+$0x110] =	vst v24  }
0x76: {  	v23 =	vor.u32 s9, v3;
	[tilespmem:s29+$0xFFFFFE20] =	vst v25;
	v20 =	vld.idx.msk [tilespmem:v20+s5+$0x0], $0xffff  }
0x77: {  	v21 =	vld.idx.msk [tilespmem:v21+s5+$0x0], $0xffff;
	[tilespmem:s29+$0xFFFFFF10] =	vst v17  }
0x78: {  	v9 =	vld.idx.msk [tilespmem:v13+s5+$0x0], $0xffff;
	[tilespmem:s29+$0xFFFFFFB0] =	vst v22;
	v13 =	vor.u32 s2, v3  }
0x79: {  	v17 =	vor.u32 s15, v4;
	v16 =	vld.idx.msk [tilespmem:v16+s5+$0x0], $0xffff;
	[tilespmem:s29+$0xC0] =	vst v11  }
0x7a: {  	v19 =	vld.idx.msk [tilespmem:v19+s5+$0x0], $0xffff;
	[tilespmem:s29+$0x1A0] =	vst v18  }
0x7b: {  	v18 =	vor.u32 s11, v5;
	[tilespmem:s29+$0x10] =	vst v12;
	v22 =	vld.idx.msk [tilespmem:v23+s5+$0x0], $0xffff  }
0x7c: {  	v24 =	vor.u32 s7, v6;
	v23 =	vld.idx.msk [tilespmem:v14+s5+$0x0], $0xffff;
	[tilespmem:s29+$0x120] =	vst v20  }
0x7d: {  	[tilespmem:s29+$0xFFFFFE30] =	vst v21;
	v13 =	vld.idx.msk [tilespmem:v13+s5+$0x0], $0xffff;
	v21 =	vor.u32 s9, v4  }
.Ltmp0:
0x7e: {  	v11 =	vor.u32 s10, v3;
	v12 =	vld.idx.msk [tilespmem:v17+s5+$0x0], $0xffff;
	[tilespmem:s29+$0xFFFFFE90] =	vst v15;
	(pc) =	sbr.rel @p1 .LBB2_2-.Ltmp0, $4  }
0x7f: {  	v20 =	vor.u32 s3, v3;
	v14 =	vld.idx.msk [tilespmem:v10+s5+$0x0], $0xffff;
	[tilespmem:s29+$0xFFFFFFC0] =	vst v16  }
0x80: {  	v15 =	vld.idx.msk [tilespmem:v18+s5+$0x0], $0xffff;
	[tilespmem:s29+$0xD0] =	vst v19  }
0x81: {  	v17 =	vor.u32 s8, v3;
	v16 =	vld.idx.msk [tilespmem:v24+s5+$0x0], $0xffff;
	[tilespmem:s29+$0x1B0] =	vst v22  }
0x82: {  	s15 =	sadd.s32 $0x20, s15;
	v10 =	vor.u32 s10, v4;
	v18 =	vor.u32 s11, v6;
	s29 =	sadd.s32 $0x400, s29;
	[tilespmem:s0+$0x20] =	vst v23;
	v19 =	vld.idx.msk [tilespmem:v21+s5+$0x0], $0xffff  }
0x83: {  	_ =	sdelay $0x2  }
0x84: {  	[tilespmem:s0+$0xFFFFFF20] =	vst v9  }
0x85: {  	v9 =	vld.idx.msk [tilespmem:v11+s5+$0x0], $0xffff;
	[tilespmem:s0+$0xFFFFFE40] =	vst v12  }
0x86: {  	v11 =	vld.idx.msk [tilespmem:v20+s5+$0x0], $0xffff;
	[tilespmem:s0+$0xFFFFFEA0] =	vst v14  }
0x87: {  	v14 =	vor.u32 s3, v4;
	[tilespmem:s0+$0xFFFFFFD0] =	vst v15  }
0x88: {  	v15 =	vld.idx.msk [tilespmem:v17+s5+$0x0], $0xffff;
	[tilespmem:s0+$0xE0] =	vst v16;
	v16 =	vor.u32 s2, v4  }
0x89: {  	[tilespmem:s0+$0x130] =	vst v13;
	v17 =	vor.u32 s9, v5;
	v18 =	vld.idx.msk [tilespmem:v18+s5+$0x0], $0xffff  }
0x8a: {  	v8 =	vld.idx.msk [tilespmem:v8+s5+$0x0], $0xffff;
	[tilespmem:s0+$0x30] =	vst v9;
	v9 =	vor.u32 s8, v4  }
0x8b: {  	[tilespmem:s0+$0xFFFFFF30] =	vst v11;
	v11 =	vor.u32 s11, v7;
	v10 =	vld.idx.msk [tilespmem:v10+s5+$0x0], $0xffff  }
0x8c: {  	[tilespmem:s0+$0x1C0] =	vst v19;
	v12 =	vld.idx.msk [tilespmem:v14+s5+$0x0], $0xffff;
	v14 =	vor.u32 s10, v5  }
0x8d: {  	v13 =	vor.u32 s3, v5;
	[tilespmem:s0+$0xFFFFFEB0] =	vst v15;
	v15 =	vld.idx.msk [tilespmem:v16+s5+$0x0], $0xffff  }
0x8e: {  	v16 =	vld.idx.msk [tilespmem:v17+s5+$0x0], $0xffff;
	[tilespmem:s0+$0xFFFFFFE0] =	vst v18;
	v17 =	vor.u32 s2, v5  }
0x8f: {  	[tilespmem:s0+$0xF0] =	vst v8;
	v8 =	vor.u32 s12, v5;
	v9 =	vld.idx.msk [tilespmem:v9+s5+$0x0], $0xffff  }
0x90: {  	v11 =	vld.idx.msk [tilespmem:v11+s5+$0x0], $0xffff;
	[tilespmem:s0+$0x40] =	vst v10;
	v10 =	vor.u32 s8, v5  }
0x91: {  	v18 =	vor.u32 s9, v6;
	[tilespmem:s0+$0xFFFFFF40] =	vst v12;
	v12 =	vld.idx.msk [tilespmem:v14+s5+$0x0], $0xffff  }
0x92: {  	v14 =	vor.u32 s10, v6;
	v13 =	vld.idx.msk [tilespmem:v13+s5+$0x0], $0xffff;
	[tilespmem:s0+$0x140] =	vst v15  }
0x93: {  	[tilespmem:s0+$0x1D0] =	vst v16;
	v15 =	vor.u32 s3, v6;
	v16 =	vld.idx.msk [tilespmem:v17+s5+$0x0], $0xffff  }
0x94: {  	v8 =	vld.idx.msk [tilespmem:v8+s5+$0x0], $0xffff;
	[tilespmem:s0+$0xFFFFFEC0] =	vst v9;
	v9 =	vor.u32 s2, v6  }
0x95: {  	[tilespmem:s0+$0xFFFFFFF0] =	vst v11;
	v10 =	vld.idx.msk [tilespmem:v10+s5+$0x0], $0xffff;
	v11 =	vor.u32 s12, v6  }
0x96: {  	v17 =	vld.idx.msk [tilespmem:v18+s5+$0x0], $0xffff;
	[tilespmem:s0+$0x50] =	vst v12;
	v12 =	vor.u32 s8, v6  }
0x97: {  	v18 =	vor.u32 s9, v7;
	[tilespmem:s0+$0xFFFFFF50] =	vst v13;
	v13 =	vld.idx.msk [tilespmem:v14+s5+$0x0], $0xffff  }
0x98: {  	v14 =	vld.idx.msk [tilespmem:v15+s5+$0x0], $0xffff;
	v15 =	vor.u32 s10, v7;
	[tilespmem:s0+$0x150] =	vst v16  }
0x99: {  	[tilespmem:s0+$0xFFFFFE50] =	vst v8;
	v8 =	vor.u32 s3, v7;
	v9 =	vld.idx.msk [tilespmem:v9+s5+$0x0], $0xffff  }
0x9a: {  	[tilespmem:s0+$0xFFFFFED0] =	vst v10;
	v10 =	vld.idx.msk [tilespmem:v11+s5+$0x0], $0xffff;
	v11 =	vor.u32 s2, v7  }
0x9b: {  	[tilespmem:s0+$0x1E0] =	vst v17;
	v16 =	vor.u32 s12, v7;
	v12 =	vld.idx.msk [tilespmem:v12+s5+$0x0], $0xffff  }
0x9c: {  	v17 =	vld.idx.msk [tilespmem:v18+s5+$0x0], $0xffff;
	[tilespmem:s0+$0x60] =	vst v13;
	v13 =	vor.u32 s8, v7  }
0x9d: {  	v15 =	vld.idx.msk [tilespmem:v15+s5+$0x0], $0xffff;
	[tilespmem:s0+$0xFFFFFF60] =	vst v14  }
0x9e: {  	v8 =	vld.idx.msk [tilespmem:v8+s5+$0x0], $0xffff;
	[tilespmem:s0+$0x160] =	vst v9  }
0x9f: {  	[tilespmem:s0+$0xFFFFFE60] =	vst v10;
	v9 =	vld.idx.msk [tilespmem:v11+s5+$0x0], $0xffff  }
0xa0: {  	[tilespmem:s0+$0xFFFFFEE0] =	vst v12;
	v10 =	vld.idx.msk [tilespmem:v16+s5+$0x0], $0xffff  }
0xa1: {  	[tilespmem:s0+$0x1F0] =	vst v17;
	v11 =	vld.idx.msk [tilespmem:v13+s5+$0x0], $0xffff  }
0xa2: {  	[tilespmem:s0+$0x70] =	vst v15  }
0xa3: {  	[tilespmem:s0+$0xFFFFFF70] =	vst v8  }
0xa4: {  	[tilespmem:s0+$0x170] =	vst v9  }
0xa5: {  	[tilespmem:s0+$0xFFFFFE70] =	vst v10  }
0xa6: {  	s1 =	simm.s32 $0x2000;
	[tilespmem:s0+$0xFFFFFEF0] =	vst v11  }
0xa7: {  	s30 =	simm.s32 $0x14;
	s2 =	simm.s32 $0x0;
	s0 =	rddreg [dreg:$0x7]  }
0xa8: {  	[hbm4b:s0+s2] =	stream.linear.scatter [tilespmem:s1], [sflag:$0x3], $0x1000, $0x38;
	[tilespmem:$0x4000] =	vst v63  }
0xa9: {  	v8 =	vor.u32 s30, v0;
	s31 =	rddreg [dreg:$0x8]  }
0xaa: {  	[tilespmem:s2], [sflag:$0x1] =	stream.strided.gather [hbm4b:s31+s17], $0x1000, s18, s17, $0x38;
	[tilespmem:$0x4000] =	vst v63  }
0xab: {  	_ =	swait.ge [sflag:s22], $0x1000  }
0xac: {  	s11 =	simm.s32 $0xC;
	[sflag:s22] =	ssyncset.done $0x0  }
0xad: {  	v10 =	vor.u32 s11, v0;
	[sflag:s22] =	ssyncadd.s32 $0xFFFFF000  }
0xae: {  	v11 =	vor.u32 s2, v0;
	v8 =	vld.idx.msk [tilespmem:v8+s19+$0x0], $0xffff  }
0xaf: {  	s28 =	simm.s32 $0x18;
	v9 =	vor.u32 s30, v1  }
0xb0: {  	v12 =	vor.u32 s28, v0;
	_ =	sdelay $0x1  }
0xb1: {  	s9 =	simm.s32 $0x1C;
	s0 =	simm.s32 $0x3200;
	v10 =	vld.idx.msk [tilespmem:v10+s19+$0x0], $0xffff  }
0xb2: {  	v15 =	vor.u32 s9, v0;
	v11 =	vld.idx.msk [tilespmem:v11+s19+$0x0], $0xffff;
	[tilespmem:s0+$0x80] =	vst v8  }
0xb3: {  	v16 =	vor.u32 s2, v1;
	v9 =	vld.idx.msk [tilespmem:v9+s19+$0x0], $0xffff  }
0xb4: {  	v13 =	vor.u32 s30, v2;
	v12 =	vld.idx.msk [tilespmem:v12+s19+$0x0], $0xffff  }
0xb5: {  	v14 =	vor.u32 s11, v1  }
0xb6: {  	s3 =	simm.s32 $0x8;
	v17 =	vor.u32 s28, v1;
	[tilespmem:s0+$0xFFFFFF80] =	vst v10  }
0xb7: {  	s8 =	simm.s32 $0x4;
	v8 =	vor.u32 s3, v0;
	[tilespmem:s0+$0xFFFFFE00] =	vst v11;
	v11 =	vld.idx.msk [tilespmem:v15+s19+$0x0], $0xffff  }
0xb8: {  	s10 =	simm.s32 $0x10;
	v16 =	vld.idx.msk [tilespmem:v16+s19+$0x0], $0xffff;
	[tilespmem:s0+$0x90] =	vst v9;
	v9 =	vor.u32 s8, v0  }
0xb9: {  	[tilespmem:s0+$0x100] =	vst v12;
	v12 =	vor.u32 s10, v0;
	v10 =	vld.idx.msk [tilespmem:v13+s19+$0x0], $0xffff  }
0xba: {  	v18 =	vor.u32 s9, v1;
	v13 =	vld.idx.msk [tilespmem:v14+s19+$0x0], $0xffff  }
0xbb: {  	v15 =	vor.u32 s11, v2;
	v17 =	vld.idx.msk [tilespmem:v17+s19+$0x0], $0xffff  }
0xbc: {  	v8 =	vld.idx.msk [tilespmem:v8+s19+$0x0], $0xffff;
	v14 =	vor.u32 s30, v3  }
0xbd: {  	v19 =	vor.u32 s2, v2;
	[tilespmem:s0+$0x180] =	vst v11;
	v9 =	vld.idx.msk [tilespmem:v9+s19+$0x0], $0xffff  }
0xbe: {  	v12 =	vld.idx.msk [tilespmem:v12+s19+$0x0], $0xffff;
	[tilespmem:s0+$0xA0] =	vst v10;
	v10 =	vor.u32 s8, v1  }
0xbf: {  	v18 =	vld.idx.msk [tilespmem:v18+s19+$0x0], $0xffff;
	[tilespmem:s0+$0xFFFFFF90] =	vst v13;
	v13 =	vor.u32 s3, v1  }
0xc0: {  	v20 =	vor.u32 s9, v2;
	[tilespmem:s0+$0xFFFFFE10] =	vst v16;
	v11 =	vld.idx.msk [tilespmem:v15+s19+$0x0], $0xffff  }
0xc1: {  	[tilespmem:s0+$0xFFFFFF00] =	vst v8;
	v14 =	vld.idx.msk [tilespmem:v14+s19+$0x0], $0xffff;
	v15 =	vor.u32 s11, v3  }
0xc2: {  	v16 =	vor.u32 s30, v4;
	[tilespmem:s0+$0xFFFFFE80] =	vst v9;
	v9 =	vld.idx.msk [tilespmem:v19+s19+$0x0], $0xffff  }
0xc3: {  	[tilespmem:s0+$0x0] =	vst v12;
	v19 =	vor.u32 s10, v1;
	v8 =	vld.idx.msk [tilespmem:v10+s19+$0x0], $0xffff  }
0xc4: {  	[tilespmem:s0+$0x190] =	vst v18;
	v10 =	vld.idx.msk [tilespmem:v13+s19+$0x0], $0xffff;
	v13 =	vor.u32 s2, v3  }
0xc5: {  	v12 =	vld.idx.msk [tilespmem:v20+s19+$0x0], $0xffff;
	[tilespmem:s0+$0xFFFFFFA0] =	vst v11;
	v11 =	vor.u32 s28, v2  }
0xc6: {  	[tilespmem:s0+$0xB0] =	vst v14;
	v14 =	vld.idx.msk [tilespmem:v15+s19+$0x0], $0xffff;
	v15 =	vor.u32 s3, v2  }
0xc7: {  	v18 =	vor.u32 s11, v4;
	v16 =	vld.idx.msk [tilespmem:v16+s19+$0x0], $0xffff  }
0xc8: {  	v20 =	vor.u32 s30, v5;
	v19 =	vld.idx.msk [tilespmem:v19+s19+$0x0], $0xffff;
	[tilespmem:s0+$0xFFFFFE20] =	vst v9  }
0xc9: {  	[tilespmem:s0+$0x110] =	vst v17;
	v17 =	vor.u32 s9, v3;
	v13 =	vld.idx.msk [tilespmem:v13+s19+$0x0], $0xffff  }
0xca: {  	v21 =	vor.u32 s10, v2;
	[tilespmem:s0+$0xFFFFFF10] =	vst v10;
	v11 =	vld.idx.msk [tilespmem:v11+s19+$0x0], $0xffff  }
0xcb: {  	v10 =	vor.u32 s28, v3;
	v9 =	vld.idx.msk [tilespmem:v15+s19+$0x0], $0xffff;
	[tilespmem:s0+$0xFFFFFFB0] =	vst v14  }
0xcc: {  	v14 =	vor.u32 s2, v4;
	[tilespmem:s0+$0xC0] =	vst v16;
	v15 =	vld.idx.msk [tilespmem:v18+s19+$0x0], $0xffff  }
0xcd: {  	[tilespmem:s0+$0x1A0] =	vst v12;
	v18 =	vld.idx.msk [tilespmem:v20+s19+$0x0], $0xffff;
	v20 =	vor.u32 s11, v5  }
0xce: {  	v16 =	vor.u32 s8, v2;
	[tilespmem:s0+$0x10] =	vst v19;
	v19 =	vld.idx.msk [tilespmem:v17+s19+$0x0], $0xffff  }
0xcf: {  	v22 =	vor.u32 s30, v6;
	v21 =	vld.idx.msk [tilespmem:v21+s19+$0x0], $0xffff;
	[tilespmem:s0+$0x120] =	vst v11  }
0xd0: {  	v23 =	vor.u32 s9, v4;
	[tilespmem:s0+$0xFFFFFE30] =	vst v13;
	v13 =	vld.idx.msk [tilespmem:v10+s19+$0x0], $0xffff  }
0xd1: {  	v11 =	vor.u32 s10, v3;
	v12 =	vld.idx.msk [tilespmem:v14+s19+$0x0], $0xffff;
	[tilespmem:s0+$0xFFFFFFC0] =	vst v15  }
0xd2: {  	[tilespmem:s0+$0xFFFFFE90] =	vst v8;
	v15 =	vld.idx.msk [tilespmem:v20+s19+$0x0], $0xffff;
	v20 =	vor.u32 s3, v3  }
0xd3: {  	v14 =	vld.idx.msk [tilespmem:v16+s19+$0x0], $0xffff;
	[tilespmem:s0+$0xD0] =	vst v18  }
0xd4: {  	v8 =	vor.u32 s30, v7;
	v17 =	vor.u32 s8, v3;
	v16 =	vld.idx.msk [tilespmem:v22+s19+$0x0], $0xffff;
	[tilespmem:s0+$0x1B0] =	vst v19  }
0xd5: {  	s15 =	simm.s32 $0x20;
	s16 =	simm.s32 $0x3600;
	s12 =	simm.s32 $0x0;
	v10 =	vor.u32 s10, v4;
	v18 =	vor.u32 s11, v6;
	[tilespmem:s0+$0x20] =	vst v21;
	v19 =	vld.idx.msk [tilespmem:v23+s19+$0x0], $0xffff  }
.LBB2_4:
0xd6: {  	v21 =	vor.u32 s15, v0;
	s26 =	sadd.s32 $0x4, s15;
	s1 =	sadd.s32 $0x10, s15;
	s21 =	sadd.s32 $0x18, s15;
	[tilespmem:s0+$0xFFFFFF20] =	vst v9;
	v22 =	vld.idx.msk [tilespmem:v11+s19+$0x0], $0xffff;
	v23 =	vor.u32 s9, v5  }
0xd7: {  	s23 =	sadd.s32 $0x8, s15;
	s7 =	sadd.s32 $0x14, s15;
	s4 =	sadd.s32 $0x1C, s15;
	v11 =	vor.u32 s26, v0;
	v9 =	vor.u32 s1, v0;
	v24 =	vor.u32 s21, v0;
	v20 =	vld.idx.msk [tilespmem:v20+s19+$0x0], $0xffff  }
0xd8: {  	s6 =	sadd.s32 $0xC, s15;
	s12 =	sadd.s32 $0x8, s12;
	v25 =	vor.u32 s23, v0;
	v26 =	vor.u32 s7, v0;
	v27 =	vor.u32 s4, v0;
	[tilespmem:s0+$0xFFFFFEA0] =	vst v14  }
0xd9: {  	v28 =	vor.u32 s7, v7;
	p1 =	slt.u32 s12, $0x18;
	v14 =	vor.u32 s6, v0;
	v17 =	vld.idx.msk [tilespmem:v17+s19+$0x0], $0xffff;
	[tilespmem:s0+$0xFFFFFFD0] =	vst v15  }
0xda: {  	v29 =	vor.u32 s3, v4;
	v18 =	vld.idx.msk [tilespmem:v18+s19+$0x0], $0xffff;
	[tilespmem:s0+$0xE0] =	vst v16  }
0xdb: {  	v30 =	vor.u32 s8, v4;
	v31 =	vld.idx.msk [tilespmem:v8+s19+$0x0], $0xffff;
	[tilespmem:s0+$0x1C0] =	vst v19;
	v8 =	vmov v28  }
0xdc: {  	v19 =	vld.idx.msk [tilespmem:v21+s19+$0x0], $0xffff;
	v21 =	vor.u32 s11, v7;
	[tilespmem:s0+$0x30] =	vst v22;
	s11 =	smov.u32 s6  }
0xdd: {  	v22 =	vor.u32 s15, v1;
	[tilespmem:s0+$0xFFFFFF30] =	vst v20;
	v20 =	vld.idx.msk [tilespmem:v23+s19+$0x0], $0xffff  }
0xde: {  	v15 =	vor.u32 s26, v1;
	[tilespmem:s0+$0xFFFFFE40] =	vst v12;
	v10 =	vld.idx.msk [tilespmem:v10+s19+$0x0], $0xffff  }
0xdf: {  	v16 =	vor.u32 s4, v1;
	[tilespmem:s0+$0xFFFFFEB0] =	vst v17;
	v23 =	vld.idx.msk [tilespmem:v29+s19+$0x0], $0xffff  }
0xe0: {  	v12 =	vor.u32 s1, v1;
	v28 =	vld.idx.msk [tilespmem:v30+s19+$0x0], $0xffff;
	[tilespmem:s0+$0xFFFFFFE0] =	vst v18;
	v18 =	vor.u32 s10, v5  }
0xe1: {  	v29 =	vor.u32 s7, v1;
	v21 =	vld.idx.msk [tilespmem:v21+s19+$0x0], $0xffff;
	[tilespmem:s0+$0xF0] =	vst v31  }
0xe2: {  	[tilespmem:s16+$0xFFFFFE00] =	vst v19;
	v19 =	vld.idx.msk [tilespmem:v26+s19+$0x0], $0xffff;
	v26 =	vor.u32 s3, v5  }
0xe3: {  	v17 =	vor.u32 s23, v1;
	v30 =	vor.u32 s28, v4;
	v25 =	vld.idx.msk [tilespmem:v25+s19+$0x0], $0xffff;
	[tilespmem:s0+$0x1D0] =	vst v20  }
0xe4: {  	v31 =	vor.u32 s9, v6;
	v20 =	vor.u32 s11, v1;
	v27 =	vld.idx.msk [tilespmem:v27+s19+$0x0], $0xffff;
	[tilespmem:s0+$0x40] =	vst v10  }
0xe5: {  	v32 =	vor.u32 s15, v2;
	v10 =	vor.u32 s26, v2;
	[tilespmem:s0+$0xFFFFFF40] =	vst v23;
	v23 =	vld.idx.msk [tilespmem:v18+s19+$0x0], $0xffff  }
0xe6: {  	v18 =	vor.u32 s4, v2;
	v33 =	vld.idx.msk [tilespmem:v14+s19+$0x0], $0xffff;
	[tilespmem:s0+$0xFFFFFEC0] =	vst v28  }
0xe7: {  	v14 =	vor.u32 s1, v2;
	v28 =	vor.u32 s2, v5;
	v26 =	vld.idx.msk [tilespmem:v26+s19+$0x0], $0xffff;
	[tilespmem:s0+$0x130] =	vst v13  }
0xe8: {  	v34 =	vor.u32 s8, v5;
	[tilespmem:s16+$0x80] =	vst v19;
	v19 =	vor.u32 s7, v2;
	v30 =	vld.idx.msk [tilespmem:v30+s19+$0x0], $0xffff  }
0xe9: {  	v35 =	vor.u32 s21, v1;
	[tilespmem:s0+$0xFFFFFFF0] =	vst v21;
	v21 =	vor.u32 s10, v6;
	v31 =	vld.idx.msk [tilespmem:v31+s19+$0x0], $0xffff  }
0xea: {  	v13 =	vor.u32 s23, v2;
	v24 =	vld.idx.msk [tilespmem:v24+s19+$0x0], $0xffff;
	[tilespmem:s16+$0x180] =	vst v27;
	v27 =	vor.u32 s28, v5  }
0xeb: {  	v36 =	vor.u32 s11, v2;
	v29 =	vld.idx.msk [tilespmem:v29+s19+$0x0], $0xffff;
	[tilespmem:s0+$0x50] =	vst v23;
	v23 =	vor.u32 s9, v7;
	s9 =	smov.u32 s4  }
0xec: {  	[tilespmem:s16+$0xFFFFFF00] =	vst v25;
	v25 =	vld.idx.msk [tilespmem:v28+s19+$0x0], $0xffff;
	v28 =	vor.u32 s3, v6  }
0xed: {  	v34 =	vld.idx.msk [tilespmem:v34+s19+$0x0], $0xffff;
	[tilespmem:s0+$0xFFFFFF50] =	vst v26  }
0xee: {  	v21 =	vld.idx.msk [tilespmem:v21+s19+$0x0], $0xffff;
	[tilespmem:s0+$0x140] =	vst v30  }
0xef: {  	v26 =	vor.u32 s2, v6;
	v27 =	vld.idx.msk [tilespmem:v27+s19+$0x0], $0xffff;
	[tilespmem:s0+$0x1E0] =	vst v31  }
0xf0: {  	v30 =	vor.u32 s8, v6;
	[tilespmem:s16+$0xFFFFFF80] =	vst v33;
	v23 =	vld.idx.msk [tilespmem:v23+s19+$0x0], $0xffff  }
0xf1: {  	[tilespmem:s16+$0x90] =	vst v29;
	v28 =	vld.idx.msk [tilespmem:v28+s19+$0x0], $0xffff  }
0xf2: {  	v19 =	vld.idx.msk [tilespmem:v19+s19+$0x0], $0xffff;
	[tilespmem:s0+$0xFFFFFE50] =	vst v25;
	v25 =	vor.u32 s28, v6  }
0xf3: {  	v29 =	vor.u32 s10, v7;
	s10 =	smov.u32 s1;
	v22 =	vld.idx.msk [tilespmem:v22+s19+$0x0], $0xffff;
	[tilespmem:s0+$0xFFFFFED0] =	vst v34  }
0xf4: {  	v26 =	vld.idx.msk [tilespmem:v26+s19+$0x0], $0xffff;
	[tilespmem:s0+$0x60] =	vst v21  }
0xf5: {  	v21 =	vld.idx.msk [tilespmem:v30+s19+$0x0], $0xffff;
	v30 =	vor.u32 s3, v7;
	[tilespmem:s0+$0x150] =	vst v27;
	s3 =	smov.u32 s23  }
0xf6: {  	v27 =	vor.u32 s7, v3;
	v20 =	vld.idx.msk [tilespmem:v20+s19+$0x0], $0xffff;
	[tilespmem:s0+$0x1F0] =	vst v23  }
0xf7: {  	[tilespmem:s16+$0x100] =	vst v24;
	v23 =	vld.idx.msk [tilespmem:v25+s19+$0x0], $0xffff  }
0xf8: {  	[tilespmem:s16+$0xA0] =	vst v19;
	v19 =	vld.idx.msk [tilespmem:v29+s19+$0x0], $0xffff  }
0xf9: {  	v25 =	vor.u32 s28, v7;
	s28 =	smov.u32 s21;
	v24 =	vld.idx.msk [tilespmem:v35+s19+$0x0], $0xffff;
	[tilespmem:s0+$0xFFFFFF60] =	vst v28  }
0xfa: {  	v28 =	vor.u32 s8, v7;
	s8 =	smov.u32 s26;
	[tilespmem:s16+$0xFFFFFE10] =	vst v22;
	v22 =	vor.u32 s2, v7;
	v29 =	vld.idx.msk [tilespmem:v30+s19+$0x0], $0xffff;
	s2 =	smov.u32 s15  }
0xfb: {  	v27 =	vld.idx.msk [tilespmem:v27+s19+$0x0], $0xffff;
	[tilespmem:s0+$0xFFFFFEE0] =	vst v21  }
0xfc: {  	v11 =	vld.idx.msk [tilespmem:v11+s19+$0x0], $0xffff;
	[tilespmem:s16+$0xFFFFFF90] =	vst v20  }
0xfd: {  	v20 =	vld.idx.msk [tilespmem:v36+s19+$0x0], $0xffff;
	[tilespmem:s0+$0x160] =	vst v23  }
0xfe: {  	[tilespmem:s0+$0xFFFFFE60] =	vst v26;
	v21 =	vld.idx.msk [tilespmem:v25+s19+$0x0], $0xffff  }
0xff: {  	v22 =	vld.idx.msk [tilespmem:v22+s19+$0x0], $0xffff;
	[tilespmem:s0+$0x70] =	vst v19  }
0x100: {  	v19 =	vld.idx.msk [tilespmem:v28+s19+$0x0], $0xffff;
	[tilespmem:s0+$0xFFFFFF70] =	vst v29  }
0x101: {  	v23 =	vor.u32 s11, v3;
	[tilespmem:s16+$0xB0] =	vst v27;
	v16 =	vld.idx.msk [tilespmem:v16+s19+$0x0], $0xffff  }
0x102: {  	[tilespmem:s16+$0xFFFFFE80] =	vst v11;
	v9 =	vld.idx.msk [tilespmem:v9+s19+$0x0], $0xffff;
	v11 =	vor.u32 s7, v4  }
0x103: {  	v25 =	vld.idx.msk [tilespmem:v32+s19+$0x0], $0xffff;
	[tilespmem:s16+$0xFFFFFFA0] =	vst v20  }
0x104: {  	v15 =	vld.idx.msk [tilespmem:v15+s19+$0x0], $0xffff;
	[tilespmem:s0+$0x170] =	vst v21  }
0x105: {  	v20 =	vor.u32 s28, v2;
	v17 =	vld.idx.msk [tilespmem:v17+s19+$0x0], $0xffff;
	[tilespmem:s0+$0xFFFFFE70] =	vst v22  }
0x106: {  	v21 =	vor.u32 s15, v3;
	v22 =	vld.idx.msk [tilespmem:v23+s19+$0x0], $0xffff;
	[tilespmem:s0+$0xFFFFFEF0] =	vst v19;
	s0 =	smov.u32 s16  }
0x107: {  	v11 =	vld.idx.msk [tilespmem:v11+s19+$0x0], $0xffff;
	[tilespmem:s16+$0x190] =	vst v16  }
0x108: {  	v16 =	vor.u32 s11, v4;
	[tilespmem:s16+$0x0] =	vst v9;
	v18 =	vld.idx.msk [tilespmem:v18+s19+$0x0], $0xffff  }
0x109: {  	v19 =	vor.u32 s7, v5;
	v12 =	vld.idx.msk [tilespmem:v12+s19+$0x0], $0xffff;
	[tilespmem:s16+$0x110] =	vst v24  }
0x10a: {  	v23 =	vor.u32 s9, v3;
	[tilespmem:s16+$0xFFFFFE20] =	vst v25;
	v20 =	vld.idx.msk [tilespmem:v20+s19+$0x0], $0xffff  }
0x10b: {  	v21 =	vld.idx.msk [tilespmem:v21+s19+$0x0], $0xffff;
	[tilespmem:s16+$0xFFFFFF10] =	vst v17  }
0x10c: {  	v9 =	vld.idx.msk [tilespmem:v13+s19+$0x0], $0xffff;
	[tilespmem:s16+$0xFFFFFFB0] =	vst v22;
	v13 =	vor.u32 s28, v3  }
0x10d: {  	v17 =	vor.u32 s15, v4;
	v16 =	vld.idx.msk [tilespmem:v16+s19+$0x0], $0xffff;
	[tilespmem:s16+$0xC0] =	vst v11  }
0x10e: {  	v19 =	vld.idx.msk [tilespmem:v19+s19+$0x0], $0xffff;
	[tilespmem:s16+$0x1A0] =	vst v18  }
0x10f: {  	v18 =	vor.u32 s11, v5;
	[tilespmem:s16+$0x10] =	vst v12;
	v22 =	vld.idx.msk [tilespmem:v23+s19+$0x0], $0xffff  }
0x110: {  	v24 =	vor.u32 s7, v6;
	v23 =	vld.idx.msk [tilespmem:v14+s19+$0x0], $0xffff;
	[tilespmem:s16+$0x120] =	vst v20  }
0x111: {  	[tilespmem:s16+$0xFFFFFE30] =	vst v21;
	v13 =	vld.idx.msk [tilespmem:v13+s19+$0x0], $0xffff;
	v21 =	vor.u32 s9, v4  }
.Ltmp1:
0x112: {  	v11 =	vor.u32 s10, v3;
	v12 =	vld.idx.msk [tilespmem:v17+s19+$0x0], $0xffff;
	[tilespmem:s16+$0xFFFFFE90] =	vst v15;
	(pc) =	sbr.rel @p1 .LBB2_4-.Ltmp1, $4  }
0x113: {  	v20 =	vor.u32 s3, v3;
	v14 =	vld.idx.msk [tilespmem:v10+s19+$0x0], $0xffff;
	[tilespmem:s16+$0xFFFFFFC0] =	vst v16  }
0x114: {  	v15 =	vld.idx.msk [tilespmem:v18+s19+$0x0], $0xffff;
	[tilespmem:s16+$0xD0] =	vst v19  }
0x115: {  	v17 =	vor.u32 s8, v3;
	v16 =	vld.idx.msk [tilespmem:v24+s19+$0x0], $0xffff;
	[tilespmem:s16+$0x1B0] =	vst v22  }
0x116: {  	s15 =	sadd.s32 $0x20, s15;
	v10 =	vor.u32 s10, v4;
	v18 =	vor.u32 s11, v6;
	s16 =	sadd.s32 $0x400, s16;
	[tilespmem:s0+$0x20] =	vst v23;
	v19 =	vld.idx.msk [tilespmem:v21+s19+$0x0], $0xffff  }
0x117: {  	_ =	sdelay $0x1  }
0x118: {  	[tilespmem:s0+$0xFFFFFF20] =	vst v9  }
0x119: {  	[tilespmem:s0+$0xFFFFFE40] =	vst v12  }
0x11a: {  	v31 =	vld.idx.msk [tilespmem:v11+s19+$0x0], $0xffff;
	v35 =	vor.u32 s28, v4;
	[tilespmem:s0+$0x130] =	vst v13  }
0x11b: {  	v32 =	vld.idx.msk [tilespmem:v20+s19+$0x0], $0xffff;
	[tilespmem:s0+$0xFFFFFEA0] =	vst v14  }
0x11c: {  	v33 =	vor.u32 s3, v4;
	[tilespmem:s0+$0xFFFFFFD0] =	vst v15;
	v34 =	vld.idx.msk [tilespmem:v17+s19+$0x0], $0xffff  }
0x11d: {  	v36 =	vor.u32 s9, v5;
	[tilespmem:s0+$0xE0] =	vst v16;
	v18 =	vld.idx.msk [tilespmem:v18+s19+$0x0], $0xffff  }
0x11e: {  	v37 =	vor.u32 s8, v4;
	[tilespmem:s0+$0x1C0] =	vst v19;
	v8 =	vld.idx.msk [tilespmem:v8+s19+$0x0], $0xffff  }
0x11f: {  	v38 =	vor.u32 s11, v7;
	[tilespmem:s0+$0x30] =	vst v31;
	v42 =	vld.idx.msk [tilespmem:v35+s19+$0x0], $0xffff  }
0x120: {  	v44 =	vor.u32 s28, v5;
	[tilespmem:s0+$0xFFFFFF30] =	vst v32;
	v10 =	vld.idx.msk [tilespmem:v10+s19+$0x0], $0xffff  }
0x121: {  	v40 =	vor.u32 s10, v5;
	v39 =	vld.idx.msk [tilespmem:v33+s19+$0x0], $0xffff;
	[tilespmem:s0+$0xFFFFFEB0] =	vst v34  }
0x122: {  	v41 =	vor.u32 s3, v5;
	v43 =	vld.idx.msk [tilespmem:v36+s19+$0x0], $0xffff;
	[tilespmem:s0+$0xFFFFFFE0] =	vst v18  }
0x123: {  	v9 =	vld.idx.msk [tilespmem:v37+s19+$0x0], $0xffff;
	[tilespmem:s0+$0xF0] =	vst v8;
	v8 =	vor.u32 s2, v5  }
0x124: {  	v45 =	vor.u32 s8, v5;
	v11 =	vld.idx.msk [tilespmem:v38+s19+$0x0], $0xffff;
	[tilespmem:s0+$0x140] =	vst v42  }
0x125: {  	v46 =	vor.u32 s9, v6;
	[tilespmem:s0+$0x40] =	vst v10;
	v50 =	vld.idx.msk [tilespmem:v44+s19+$0x0], $0xffff  }
0x126: {  	v51 =	vor.u32 s28, v6;
	[tilespmem:s0+$0xFFFFFF40] =	vst v39;
	v47 =	vld.idx.msk [tilespmem:v40+s19+$0x0], $0xffff  }
0x127: {  	v48 =	vor.u32 s10, v6;
	[tilespmem:s0+$0x1D0] =	vst v43;
	v13 =	vld.idx.msk [tilespmem:v41+s19+$0x0], $0xffff  }
0x128: {  	v49 =	vor.u32 s3, v6;
	[tilespmem:s0+$0xFFFFFEC0] =	vst v9;
	v8 =	vld.idx.msk [tilespmem:v8+s19+$0x0], $0xffff  }
0x129: {  	v52 =	vor.u32 s2, v6;
	[tilespmem:s0+$0xFFFFFFF0] =	vst v11;
	v10 =	vld.idx.msk [tilespmem:v45+s19+$0x0], $0xffff  }
0x12a: {  	v54 =	vor.u32 s8, v6;
	v53 =	vld.idx.msk [tilespmem:v46+s19+$0x0], $0xffff;
	[tilespmem:s0+$0x150] =	vst v50  }
0x12b: {  	v55 =	vor.u32 s9, v7;
	[tilespmem:s0+$0x50] =	vst v47;
	v9 =	vld.idx.msk [tilespmem:v51+s19+$0x0], $0xffff  }
0x12c: {  	v60 =	vor.u32 s28, v7;
	[tilespmem:s0+$0xFFFFFF50] =	vst v13;
	v56 =	vld.idx.msk [tilespmem:v48+s19+$0x0], $0xffff  }
0x12d: {  	v58 =	vor.u32 s10, v7;
	v57 =	vld.idx.msk [tilespmem:v49+s19+$0x0], $0xffff;
	[tilespmem:s0+$0xFFFFFE50] =	vst v8  }
0x12e: {  	v8 =	vor.u32 s3, v7;
	[tilespmem:s0+$0xFFFFFED0] =	vst v10;
	v59 =	vld.idx.msk [tilespmem:v52+s19+$0x0], $0xffff  }
0x12f: {  	v61 =	vor.u32 s2, v7;
	[tilespmem:s0+$0x1E0] =	vst v53;
	v12 =	vld.idx.msk [tilespmem:v54+s19+$0x0], $0xffff  }
0x130: {  	v62 =	vor.u32 s8, v7;
	v17 =	vld.idx.msk [tilespmem:v55+s19+$0x0], $0xffff;
	[tilespmem:s0+$0x160] =	vst v9  }
0x131: {  	[tilespmem:s0+$0x60] =	vst v56;
	v9 =	vld.idx.msk [tilespmem:v60+s19+$0x0], $0xffff  }
0x132: {  	v15 =	vld.idx.msk [tilespmem:v58+s19+$0x0], $0xffff;
	[tilespmem:s0+$0xFFFFFF60] =	vst v57  }
0x133: {  	v8 =	vld.idx.msk [tilespmem:v8+s19+$0x0], $0xffff;
	[tilespmem:s0+$0xFFFFFE60] =	vst v59  }
0x134: {  	[tilespmem:s0+$0xFFFFFEE0] =	vst v12;
	v10 =	vld.idx.msk [tilespmem:v61+s19+$0x0], $0xffff  }
0x135: {  	[tilespmem:s0+$0x1F0] =	vst v17;
	v63 =	vld.idx.msk [tilespmem:v62+s19+$0x0], $0xffff  }
0x136: {  	[tilespmem:s0+$0x170] =	vst v9  }
0x137: {  	[tilespmem:s0+$0x70] =	vst v15  }
0x138: {  	[tilespmem:s0+$0xFFFFFF70] =	vst v8  }
0x139: {  	[tilespmem:s0+$0xFFFFFE70] =	vst v10  }
0x13a: {  	[tilespmem:s0+$0xFFFFFEF0] =	vst v63  }
0x13b: {  	s28 =	simm.s32 $0x0;
	s1 =	simm.s32 $0x3000;
	s0 =	rddreg [dreg:$0x9]  }
0x13c: {  	[hbm4b:s0+s28] =	stream.linear.scatter [tilespmem:s1], [sflag:$0x4], $0x1000, $0x38;
	[tilespmem:$0x4000] =	vst v63  }
0x13d: {  	s29 =	simm.s32 $0x0;
	s31 =	rddreg [dreg:$0xa]  }
0x13e: {  	[tilespmem:s19], [sflag:$0x2] =	stream.strided.gather [hbm4b:s31+s17], $0x1000, s18, s17, $0x38;
	[tilespmem:$0x4000] =	vst v63  }
.LBB2_6:
0x13f: {  	_ =	swait.ge [sflag:s20], $0x1000;
	s1 =	simm.s32 $0x14  }
0x140: {  	[sflag:s20] =	ssyncset.done $0x0;
	v8 =	vor.u32 s1, v0  }
0x141: {  	[sflag:s20] =	ssyncadd.s32 $0xFFFFF000  }
0x142: {  	_ =	swait.ge [sflag:s24], $0x1000  }
0x143: {  	s11 =	simm.s32 $0xC;
	[sflag:s24] =	ssyncset.done $0x0  }
0x144: {  	v10 =	vor.u32 s11, v0;
	[sflag:s24] =	ssyncadd.s32 $0xFFFFF000  }
0x145: {  	v11 =	vor.u32 s28, v0;
	v8 =	vld.idx.msk [tilespmem:v8+s5+$0x0], $0xffff  }
0x146: {  	s2 =	simm.s32 $0x18;
	v9 =	vor.u32 s1, v1  }
0x147: {  	v12 =	vor.u32 s2, v0;
	_ =	sdelay $0x1  }
0x148: {  	s0 =	simm.s32 $0x2200;
	s9 =	simm.s32 $0x1C;
	v10 =	vld.idx.msk [tilespmem:v10+s5+$0x0], $0xffff  }
0x149: {  	v15 =	vor.u32 s9, v0;
	v11 =	vld.idx.msk [tilespmem:v11+s5+$0x0], $0xffff;
	[tilespmem:s0+$0x80] =	vst v8  }
0x14a: {  	v16 =	vor.u32 s28, v1;
	v9 =	vld.idx.msk [tilespmem:v9+s5+$0x0], $0xffff  }
0x14b: {  	v13 =	vor.u32 s1, v2;
	v12 =	vld.idx.msk [tilespmem:v12+s5+$0x0], $0xffff  }
0x14c: {  	v14 =	vor.u32 s11, v1  }
0x14d: {  	s3 =	simm.s32 $0x8;
	v17 =	vor.u32 s2, v1;
	[tilespmem:s0+$0xFFFFFF80] =	vst v10  }
0x14e: {  	s8 =	simm.s32 $0x4;
	v8 =	vor.u32 s3, v0;
	[tilespmem:s0+$0xFFFFFE00] =	vst v11;
	v11 =	vld.idx.msk [tilespmem:v15+s5+$0x0], $0xffff  }
0x14f: {  	s10 =	simm.s32 $0x10;
	v16 =	vld.idx.msk [tilespmem:v16+s5+$0x0], $0xffff;
	[tilespmem:s0+$0x90] =	vst v9;
	v9 =	vor.u32 s8, v0  }
0x150: {  	[tilespmem:s0+$0x100] =	vst v12;
	v12 =	vor.u32 s10, v0;
	v10 =	vld.idx.msk [tilespmem:v13+s5+$0x0], $0xffff  }
0x151: {  	v18 =	vor.u32 s9, v1;
	v13 =	vld.idx.msk [tilespmem:v14+s5+$0x0], $0xffff  }
0x152: {  	v15 =	vor.u32 s11, v2;
	v17 =	vld.idx.msk [tilespmem:v17+s5+$0x0], $0xffff  }
0x153: {  	v8 =	vld.idx.msk [tilespmem:v8+s5+$0x0], $0xffff;
	v14 =	vor.u32 s1, v3  }
0x154: {  	v19 =	vor.u32 s28, v2;
	[tilespmem:s0+$0x180] =	vst v11;
	v9 =	vld.idx.msk [tilespmem:v9+s5+$0x0], $0xffff  }
0x155: {  	v12 =	vld.idx.msk [tilespmem:v12+s5+$0x0], $0xffff;
	[tilespmem:s0+$0xA0] =	vst v10;
	v10 =	vor.u32 s8, v1  }
0x156: {  	v18 =	vld.idx.msk [tilespmem:v18+s5+$0x0], $0xffff;
	[tilespmem:s0+$0xFFFFFF90] =	vst v13;
	v13 =	vor.u32 s3, v1  }
0x157: {  	v20 =	vor.u32 s9, v2;
	[tilespmem:s0+$0xFFFFFE10] =	vst v16;
	v11 =	vld.idx.msk [tilespmem:v15+s5+$0x0], $0xffff  }
0x158: {  	[tilespmem:s0+$0xFFFFFF00] =	vst v8;
	v14 =	vld.idx.msk [tilespmem:v14+s5+$0x0], $0xffff;
	v15 =	vor.u32 s11, v3  }
0x159: {  	v16 =	vor.u32 s1, v4;
	[tilespmem:s0+$0xFFFFFE80] =	vst v9;
	v9 =	vld.idx.msk [tilespmem:v19+s5+$0x0], $0xffff  }
0x15a: {  	[tilespmem:s0+$0x0] =	vst v12;
	v19 =	vor.u32 s10, v1;
	v8 =	vld.idx.msk [tilespmem:v10+s5+$0x0], $0xffff  }
0x15b: {  	[tilespmem:s0+$0x190] =	vst v18;
	v10 =	vld.idx.msk [tilespmem:v13+s5+$0x0], $0xffff;
	v13 =	vor.u32 s28, v3  }
0x15c: {  	v12 =	vld.idx.msk [tilespmem:v20+s5+$0x0], $0xffff;
	[tilespmem:s0+$0xFFFFFFA0] =	vst v11;
	v11 =	vor.u32 s2, v2  }
0x15d: {  	[tilespmem:s0+$0xB0] =	vst v14;
	v14 =	vld.idx.msk [tilespmem:v15+s5+$0x0], $0xffff;
	v15 =	vor.u32 s3, v2  }
0x15e: {  	v18 =	vor.u32 s11, v4;
	v16 =	vld.idx.msk [tilespmem:v16+s5+$0x0], $0xffff  }
0x15f: {  	v20 =	vor.u32 s1, v5;
	v19 =	vld.idx.msk [tilespmem:v19+s5+$0x0], $0xffff;
	[tilespmem:s0+$0xFFFFFE20] =	vst v9  }
0x160: {  	[tilespmem:s0+$0x110] =	vst v17;
	v17 =	vor.u32 s9, v3;
	v13 =	vld.idx.msk [tilespmem:v13+s5+$0x0], $0xffff  }
0x161: {  	v21 =	vor.u32 s10, v2;
	[tilespmem:s0+$0xFFFFFF10] =	vst v10;
	v11 =	vld.idx.msk [tilespmem:v11+s5+$0x0], $0xffff  }
0x162: {  	v10 =	vor.u32 s2, v3;
	v9 =	vld.idx.msk [tilespmem:v15+s5+$0x0], $0xffff;
	[tilespmem:s0+$0xFFFFFFB0] =	vst v14  }
0x163: {  	v14 =	vor.u32 s28, v4;
	[tilespmem:s0+$0xC0] =	vst v16;
	v15 =	vld.idx.msk [tilespmem:v18+s5+$0x0], $0xffff  }
0x164: {  	[tilespmem:s0+$0x1A0] =	vst v12;
	v18 =	vld.idx.msk [tilespmem:v20+s5+$0x0], $0xffff;
	v20 =	vor.u32 s11, v5  }
0x165: {  	v16 =	vor.u32 s8, v2;
	[tilespmem:s0+$0x10] =	vst v19;
	v19 =	vld.idx.msk [tilespmem:v17+s5+$0x0], $0xffff  }
0x166: {  	v22 =	vor.u32 s1, v6;
	v21 =	vld.idx.msk [tilespmem:v21+s5+$0x0], $0xffff;
	[tilespmem:s0+$0x120] =	vst v11  }
0x167: {  	v23 =	vor.u32 s9, v4;
	[tilespmem:s0+$0xFFFFFE30] =	vst v13;
	v13 =	vld.idx.msk [tilespmem:v10+s5+$0x0], $0xffff  }
0x168: {  	v11 =	vor.u32 s10, v3;
	v12 =	vld.idx.msk [tilespmem:v14+s5+$0x0], $0xffff;
	[tilespmem:s0+$0xFFFFFFC0] =	vst v15  }
0x169: {  	[tilespmem:s0+$0xFFFFFE90] =	vst v8;
	v15 =	vld.idx.msk [tilespmem:v20+s5+$0x0], $0xffff;
	v20 =	vor.u32 s3, v3  }
0x16a: {  	v14 =	vld.idx.msk [tilespmem:v16+s5+$0x0], $0xffff;
	[tilespmem:s0+$0xD0] =	vst v18  }
0x16b: {  	s30 =	simm.s32 $0x0;
	v8 =	vor.u32 s1, v7;
	v17 =	vor.u32 s8, v3;
	v16 =	vld.idx.msk [tilespmem:v22+s5+$0x0], $0xffff;
	[tilespmem:s0+$0x1B0] =	vst v19  }
0x16c: {  	s15 =	simm.s32 $0x20;
	s31 =	simm.s32 $0x2600;
	s12 =	simm.s32 $0x0;
	v10 =	vor.u32 s10, v4;
	v18 =	vor.u32 s11, v6;
	[tilespmem:s0+$0x20] =	vst v21;
	v19 =	vld.idx.msk [tilespmem:v23+s5+$0x0], $0xffff  }
.LBB2_7:
0x16d: {  	v21 =	vor.u32 s15, v0;
	s16 =	sadd.s32 $0x4, s15;
	s1 =	sadd.s32 $0x10, s15;
	s21 =	sadd.s32 $0x18, s15;
	[tilespmem:s0+$0xFFFFFF20] =	vst v9;
	v22 =	vld.idx.msk [tilespmem:v11+s5+$0x0], $0xffff;
	v23 =	vor.u32 s9, v5  }
0x16e: {  	s23 =	sadd.s32 $0x8, s15;
	s7 =	sadd.s32 $0x14, s15;
	s4 =	sadd.s32 $0x1C, s15;
	v11 =	vor.u32 s16, v0;
	v9 =	vor.u32 s1, v0;
	v24 =	vor.u32 s21, v0;
	v20 =	vld.idx.msk [tilespmem:v20+s5+$0x0], $0xffff  }
0x16f: {  	s6 =	sadd.s32 $0xC, s15;
	s30 =	sadd.s32 $0x8, s30;
	v25 =	vor.u32 s23, v0;
	v26 =	vor.u32 s7, v0;
	v27 =	vor.u32 s4, v0;
	[tilespmem:s0+$0xFFFFFEA0] =	vst v14  }
0x170: {  	v28 =	vor.u32 s7, v7;
	p1 =	slt.u32 s30, $0x18;
	v14 =	vor.u32 s6, v0;
	v17 =	vld.idx.msk [tilespmem:v17+s5+$0x0], $0xffff;
	[tilespmem:s0+$0xFFFFFFD0] =	vst v15  }
0x171: {  	v29 =	vor.u32 s3, v4;
	v18 =	vld.idx.msk [tilespmem:v18+s5+$0x0], $0xffff;
	[tilespmem:s0+$0xE0] =	vst v16  }
0x172: {  	v30 =	vor.u32 s8, v4;
	v31 =	vld.idx.msk [tilespmem:v8+s5+$0x0], $0xffff;
	[tilespmem:s0+$0x1C0] =	vst v19;
	v8 =	vmov v28  }
0x173: {  	v19 =	vld.idx.msk [tilespmem:v21+s5+$0x0], $0xffff;
	v21 =	vor.u32 s11, v7;
	[tilespmem:s0+$0x30] =	vst v22;
	s11 =	smov.u32 s6  }
0x174: {  	v22 =	vor.u32 s15, v1;
	[tilespmem:s0+$0xFFFFFF30] =	vst v20;
	v20 =	vld.idx.msk [tilespmem:v23+s5+$0x0], $0xffff  }
0x175: {  	v15 =	vor.u32 s16, v1;
	[tilespmem:s0+$0xFFFFFE40] =	vst v12;
	v10 =	vld.idx.msk [tilespmem:v10+s5+$0x0], $0xffff  }
0x176: {  	v16 =	vor.u32 s4, v1;
	[tilespmem:s0+$0xFFFFFEB0] =	vst v17;
	v23 =	vld.idx.msk [tilespmem:v29+s5+$0x0], $0xffff  }
0x177: {  	v12 =	vor.u32 s1, v1;
	v28 =	vld.idx.msk [tilespmem:v30+s5+$0x0], $0xffff;
	[tilespmem:s0+$0xFFFFFFE0] =	vst v18;
	v18 =	vor.u32 s10, v5  }
0x178: {  	v29 =	vor.u32 s7, v1;
	v21 =	vld.idx.msk [tilespmem:v21+s5+$0x0], $0xffff;
	[tilespmem:s0+$0xF0] =	vst v31  }
0x179: {  	[tilespmem:s31+$0xFFFFFE00] =	vst v19;
	v19 =	vld.idx.msk [tilespmem:v26+s5+$0x0], $0xffff;
	v26 =	vor.u32 s3, v5  }
0x17a: {  	v17 =	vor.u32 s23, v1;
	v30 =	vor.u32 s2, v4;
	v25 =	vld.idx.msk [tilespmem:v25+s5+$0x0], $0xffff;
	[tilespmem:s0+$0x1D0] =	vst v20  }
0x17b: {  	v31 =	vor.u32 s9, v6;
	v20 =	vor.u32 s11, v1;
	v27 =	vld.idx.msk [tilespmem:v27+s5+$0x0], $0xffff;
	[tilespmem:s0+$0x40] =	vst v10  }
0x17c: {  	v32 =	vor.u32 s15, v2;
	v10 =	vor.u32 s16, v2;
	[tilespmem:s0+$0xFFFFFF40] =	vst v23;
	v23 =	vld.idx.msk [tilespmem:v18+s5+$0x0], $0xffff  }
0x17d: {  	v18 =	vor.u32 s4, v2;
	v33 =	vld.idx.msk [tilespmem:v14+s5+$0x0], $0xffff;
	[tilespmem:s0+$0xFFFFFEC0] =	vst v28  }
0x17e: {  	v14 =	vor.u32 s1, v2;
	v28 =	vor.u32 s12, v5;
	v26 =	vld.idx.msk [tilespmem:v26+s5+$0x0], $0xffff;
	[tilespmem:s0+$0x130] =	vst v13  }
0x17f: {  	v34 =	vor.u32 s8, v5;
	[tilespmem:s31+$0x80] =	vst v19;
	v19 =	vor.u32 s7, v2;
	v30 =	vld.idx.msk [tilespmem:v30+s5+$0x0], $0xffff  }
0x180: {  	v35 =	vor.u32 s21, v1;
	[tilespmem:s0+$0xFFFFFFF0] =	vst v21;
	v21 =	vor.u32 s10, v6;
	v31 =	vld.idx.msk [tilespmem:v31+s5+$0x0], $0xffff  }
0x181: {  	v13 =	vor.u32 s23, v2;
	v24 =	vld.idx.msk [tilespmem:v24+s5+$0x0], $0xffff;
	[tilespmem:s31+$0x180] =	vst v27;
	v27 =	vor.u32 s2, v5  }
0x182: {  	v36 =	vor.u32 s11, v2;
	v29 =	vld.idx.msk [tilespmem:v29+s5+$0x0], $0xffff;
	[tilespmem:s0+$0x50] =	vst v23;
	v23 =	vor.u32 s9, v7;
	s9 =	smov.u32 s4  }
0x183: {  	[tilespmem:s31+$0xFFFFFF00] =	vst v25;
	v25 =	vld.idx.msk [tilespmem:v28+s5+$0x0], $0xffff;
	v28 =	vor.u32 s3, v6  }
0x184: {  	v34 =	vld.idx.msk [tilespmem:v34+s5+$0x0], $0xffff;
	[tilespmem:s0+$0xFFFFFF50] =	vst v26  }
0x185: {  	v21 =	vld.idx.msk [tilespmem:v21+s5+$0x0], $0xffff;
	[tilespmem:s0+$0x140] =	vst v30  }
0x186: {  	v26 =	vor.u32 s12, v6;
	v27 =	vld.idx.msk [tilespmem:v27+s5+$0x0], $0xffff;
	[tilespmem:s0+$0x1E0] =	vst v31  }
0x187: {  	v30 =	vor.u32 s8, v6;
	[tilespmem:s31+$0xFFFFFF80] =	vst v33;
	v23 =	vld.idx.msk [tilespmem:v23+s5+$0x0], $0xffff  }
0x188: {  	[tilespmem:s31+$0x90] =	vst v29;
	v28 =	vld.idx.msk [tilespmem:v28+s5+$0x0], $0xffff  }
0x189: {  	v19 =	vld.idx.msk [tilespmem:v19+s5+$0x0], $0xffff;
	[tilespmem:s0+$0xFFFFFE50] =	vst v25;
	v25 =	vor.u32 s2, v6  }
0x18a: {  	v29 =	vor.u32 s10, v7;
	s10 =	smov.u32 s1;
	v22 =	vld.idx.msk [tilespmem:v22+s5+$0x0], $0xffff;
	[tilespmem:s0+$0xFFFFFED0] =	vst v34  }
0x18b: {  	v26 =	vld.idx.msk [tilespmem:v26+s5+$0x0], $0xffff;
	[tilespmem:s0+$0x60] =	vst v21  }
0x18c: {  	v21 =	vld.idx.msk [tilespmem:v30+s5+$0x0], $0xffff;
	v30 =	vor.u32 s3, v7;
	[tilespmem:s0+$0x150] =	vst v27;
	s3 =	smov.u32 s23  }
0x18d: {  	v27 =	vor.u32 s7, v3;
	v20 =	vld.idx.msk [tilespmem:v20+s5+$0x0], $0xffff;
	[tilespmem:s0+$0x1F0] =	vst v23  }
0x18e: {  	[tilespmem:s31+$0x100] =	vst v24;
	v23 =	vld.idx.msk [tilespmem:v25+s5+$0x0], $0xffff  }
0x18f: {  	[tilespmem:s31+$0xA0] =	vst v19;
	v19 =	vld.idx.msk [tilespmem:v29+s5+$0x0], $0xffff  }
0x190: {  	v25 =	vor.u32 s2, v7;
	s2 =	smov.u32 s21;
	v24 =	vld.idx.msk [tilespmem:v35+s5+$0x0], $0xffff;
	[tilespmem:s0+$0xFFFFFF60] =	vst v28  }
0x191: {  	v28 =	vor.u32 s8, v7;
	s8 =	smov.u32 s16;
	[tilespmem:s31+$0xFFFFFE10] =	vst v22;
	v22 =	vor.u32 s12, v7;
	v29 =	vld.idx.msk [tilespmem:v30+s5+$0x0], $0xffff;
	s12 =	smov.u32 s15  }
0x192: {  	v27 =	vld.idx.msk [tilespmem:v27+s5+$0x0], $0xffff;
	[tilespmem:s0+$0xFFFFFEE0] =	vst v21  }
0x193: {  	v11 =	vld.idx.msk [tilespmem:v11+s5+$0x0], $0xffff;
	[tilespmem:s31+$0xFFFFFF90] =	vst v20  }
0x194: {  	v20 =	vld.idx.msk [tilespmem:v36+s5+$0x0], $0xffff;
	[tilespmem:s0+$0x160] =	vst v23  }
0x195: {  	[tilespmem:s0+$0xFFFFFE60] =	vst v26;
	v21 =	vld.idx.msk [tilespmem:v25+s5+$0x0], $0xffff  }
0x196: {  	v22 =	vld.idx.msk [tilespmem:v22+s5+$0x0], $0xffff;
	[tilespmem:s0+$0x70] =	vst v19  }
0x197: {  	v19 =	vld.idx.msk [tilespmem:v28+s5+$0x0], $0xffff;
	[tilespmem:s0+$0xFFFFFF70] =	vst v29  }
0x198: {  	v23 =	vor.u32 s11, v3;
	[tilespmem:s31+$0xB0] =	vst v27;
	v16 =	vld.idx.msk [tilespmem:v16+s5+$0x0], $0xffff  }
0x199: {  	[tilespmem:s31+$0xFFFFFE80] =	vst v11;
	v9 =	vld.idx.msk [tilespmem:v9+s5+$0x0], $0xffff;
	v11 =	vor.u32 s7, v4  }
0x19a: {  	v25 =	vld.idx.msk [tilespmem:v32+s5+$0x0], $0xffff;
	[tilespmem:s31+$0xFFFFFFA0] =	vst v20  }
0x19b: {  	v15 =	vld.idx.msk [tilespmem:v15+s5+$0x0], $0xffff;
	[tilespmem:s0+$0x170] =	vst v21  }
0x19c: {  	v20 =	vor.u32 s2, v2;
	v17 =	vld.idx.msk [tilespmem:v17+s5+$0x0], $0xffff;
	[tilespmem:s0+$0xFFFFFE70] =	vst v22  }
0x19d: {  	v21 =	vor.u32 s15, v3;
	v22 =	vld.idx.msk [tilespmem:v23+s5+$0x0], $0xffff;
	[tilespmem:s0+$0xFFFFFEF0] =	vst v19;
	s0 =	smov.u32 s31  }
0x19e: {  	v11 =	vld.idx.msk [tilespmem:v11+s5+$0x0], $0xffff;
	[tilespmem:s31+$0x190] =	vst v16  }
0x19f: {  	v16 =	vor.u32 s11, v4;
	[tilespmem:s31+$0x0] =	vst v9;
	v18 =	vld.idx.msk [tilespmem:v18+s5+$0x0], $0xffff  }
0x1a0: {  	v19 =	vor.u32 s7, v5;
	v12 =	vld.idx.msk [tilespmem:v12+s5+$0x0], $0xffff;
	[tilespmem:s31+$0x110] =	vst v24  }
0x1a1: {  	v23 =	vor.u32 s9, v3;
	[tilespmem:s31+$0xFFFFFE20] =	vst v25;
	v20 =	vld.idx.msk [tilespmem:v20+s5+$0x0], $0xffff  }
0x1a2: {  	v21 =	vld.idx.msk [tilespmem:v21+s5+$0x0], $0xffff;
	[tilespmem:s31+$0xFFFFFF10] =	vst v17  }
0x1a3: {  	v9 =	vld.idx.msk [tilespmem:v13+s5+$0x0], $0xffff;
	[tilespmem:s31+$0xFFFFFFB0] =	vst v22;
	v13 =	vor.u32 s2, v3  }
0x1a4: {  	v17 =	vor.u32 s15, v4;
	v16 =	vld.idx.msk [tilespmem:v16+s5+$0x0], $0xffff;
	[tilespmem:s31+$0xC0] =	vst v11  }
0x1a5: {  	v19 =	vld.idx.msk [tilespmem:v19+s5+$0x0], $0xffff;
	[tilespmem:s31+$0x1A0] =	vst v18  }
0x1a6: {  	v18 =	vor.u32 s11, v5;
	[tilespmem:s31+$0x10] =	vst v12;
	v22 =	vld.idx.msk [tilespmem:v23+s5+$0x0], $0xffff  }
0x1a7: {  	v24 =	vor.u32 s7, v6;
	v23 =	vld.idx.msk [tilespmem:v14+s5+$0x0], $0xffff;
	[tilespmem:s31+$0x120] =	vst v20  }
0x1a8: {  	[tilespmem:s31+$0xFFFFFE30] =	vst v21;
	v13 =	vld.idx.msk [tilespmem:v13+s5+$0x0], $0xffff;
	v21 =	vor.u32 s9, v4  }
.Ltmp2:
0x1a9: {  	v11 =	vor.u32 s10, v3;
	v12 =	vld.idx.msk [tilespmem:v17+s5+$0x0], $0xffff;
	[tilespmem:s31+$0xFFFFFE90] =	vst v15;
	(pc) =	sbr.rel @p1 .LBB2_7-.Ltmp2, $4  }
0x1aa: {  	v20 =	vor.u32 s3, v3;
	v14 =	vld.idx.msk [tilespmem:v10+s5+$0x0], $0xffff;
	[tilespmem:s31+$0xFFFFFFC0] =	vst v16  }
0x1ab: {  	v15 =	vld.idx.msk [tilespmem:v18+s5+$0x0], $0xffff;
	[tilespmem:s31+$0xD0] =	vst v19  }
0x1ac: {  	v17 =	vor.u32 s8, v3;
	v16 =	vld.idx.msk [tilespmem:v24+s5+$0x0], $0xffff;
	[tilespmem:s31+$0x1B0] =	vst v22  }
0x1ad: {  	s15 =	sadd.s32 $0x20, s15;
	v10 =	vor.u32 s10, v4;
	v18 =	vor.u32 s11, v6;
	s31 =	sadd.s32 $0x400, s31;
	[tilespmem:s0+$0x20] =	vst v23;
	v19 =	vld.idx.msk [tilespmem:v21+s5+$0x0], $0xffff  }
0x1ae: {  	_ =	sdelay $0x2  }
0x1af: {  	[tilespmem:s0+$0xFFFFFF20] =	vst v9  }
0x1b0: {  	v9 =	vld.idx.msk [tilespmem:v11+s5+$0x0], $0xffff;
	[tilespmem:s0+$0xFFFFFE40] =	vst v12  }
0x1b1: {  	v11 =	vld.idx.msk [tilespmem:v20+s5+$0x0], $0xffff;
	[tilespmem:s0+$0xFFFFFEA0] =	vst v14  }
0x1b2: {  	v14 =	vor.u32 s3, v4;
	[tilespmem:s0+$0xFFFFFFD0] =	vst v15  }
0x1b3: {  	v15 =	vld.idx.msk [tilespmem:v17+s5+$0x0], $0xffff;
	[tilespmem:s0+$0xE0] =	vst v16;
	v16 =	vor.u32 s2, v4  }
0x1b4: {  	[tilespmem:s0+$0x130] =	vst v13;
	v17 =	vor.u32 s9, v5;
	v18 =	vld.idx.msk [tilespmem:v18+s5+$0x0], $0xffff  }
0x1b5: {  	v8 =	vld.idx.msk [tilespmem:v8+s5+$0x0], $0xffff;
	[tilespmem:s0+$0x30] =	vst v9;
	v9 =	vor.u32 s8, v4  }
0x1b6: {  	[tilespmem:s0+$0xFFFFFF30] =	vst v11;
	v11 =	vor.u32 s11, v7;
	v10 =	vld.idx.msk [tilespmem:v10+s5+$0x0], $0xffff  }
0x1b7: {  	[tilespmem:s0+$0x1C0] =	vst v19;
	v12 =	vld.idx.msk [tilespmem:v14+s5+$0x0], $0xffff;
	v14 =	vor.u32 s10, v5  }
0x1b8: {  	v13 =	vor.u32 s3, v5;
	[tilespmem:s0+$0xFFFFFEB0] =	vst v15;
	v15 =	vld.idx.msk [tilespmem:v16+s5+$0x0], $0xffff  }
0x1b9: {  	v16 =	vld.idx.msk [tilespmem:v17+s5+$0x0], $0xffff;
	[tilespmem:s0+$0xFFFFFFE0] =	vst v18;
	v17 =	vor.u32 s2, v5  }
0x1ba: {  	[tilespmem:s0+$0xF0] =	vst v8;
	v8 =	vor.u32 s12, v5;
	v9 =	vld.idx.msk [tilespmem:v9+s5+$0x0], $0xffff  }
0x1bb: {  	v18 =	vor.u32 s9, v6;
	v11 =	vld.idx.msk [tilespmem:v11+s5+$0x0], $0xffff;
	[tilespmem:s0+$0x40] =	vst v10  }
0x1bc: {  	[tilespmem:s0+$0xFFFFFF40] =	vst v12;
	v12 =	vld.idx.msk [tilespmem:v14+s5+$0x0], $0xffff  }
0x1bd: {  	v10 =	vor.u32 s8, v5;
	v13 =	vld.idx.msk [tilespmem:v13+s5+$0x0], $0xffff;
	[tilespmem:s0+$0x140] =	vst v15  }
0x1be: {  	v14 =	vor.u32 s10, v6;
	[tilespmem:s0+$0x1D0] =	vst v16;
	v16 =	vld.idx.msk [tilespmem:v17+s5+$0x0], $0xffff  }
0x1bf: {  	v15 =	vor.u32 s3, v6;
	v8 =	vld.idx.msk [tilespmem:v8+s5+$0x0], $0xffff;
	[tilespmem:s0+$0xFFFFFEC0] =	vst v9  }
0x1c0: {  	v17 =	vld.idx.msk [tilespmem:v18+s5+$0x0], $0xffff;
	v9 =	vor.u32 s2, v6;
	[tilespmem:s0+$0xFFFFFFF0] =	vst v11  }
0x1c1: {  	v18 =	vor.u32 s9, v7;
	[tilespmem:s0+$0x50] =	vst v12  }
0x1c2: {  	v10 =	vld.idx.msk [tilespmem:v10+s5+$0x0], $0xffff;
	v11 =	vor.u32 s12, v6;
	[tilespmem:s0+$0xFFFFFF50] =	vst v13  }
0x1c3: {  	v12 =	vor.u32 s8, v6;
	v13 =	vld.idx.msk [tilespmem:v14+s5+$0x0], $0xffff;
	[tilespmem:s0+$0x150] =	vst v16  }
0x1c4: {  	v14 =	vld.idx.msk [tilespmem:v15+s5+$0x0], $0xffff;
	v15 =	vor.u32 s10, v7;
	[tilespmem:s0+$0xFFFFFE50] =	vst v8  }
0x1c5: {  	v8 =	vor.u32 s3, v7;
	[tilespmem:s0+$0x1E0] =	vst v17;
	v9 =	vld.idx.msk [tilespmem:v9+s5+$0x0], $0xffff  }
0x1c6: {  	v17 =	vld.idx.msk [tilespmem:v18+s5+$0x0], $0xffff  }
0x1c7: {  	[tilespmem:s0+$0xFFFFFED0] =	vst v10;
	v10 =	vld.idx.msk [tilespmem:v11+s5+$0x0], $0xffff;
	v11 =	vor.u32 s2, v7  }
0x1c8: {  	v16 =	vor.u32 s12, v7;
	v12 =	vld.idx.msk [tilespmem:v12+s5+$0x0], $0xffff;
	[tilespmem:s0+$0x60] =	vst v13  }
0x1c9: {  	v13 =	vor.u32 s8, v7;
	v15 =	vld.idx.msk [tilespmem:v15+s5+$0x0], $0xffff;
	[tilespmem:s0+$0xFFFFFF60] =	vst v14  }
0x1ca: {  	v8 =	vld.idx.msk [tilespmem:v8+s5+$0x0], $0xffff;
	[tilespmem:s0+$0x160] =	vst v9  }
0x1cb: {  	[tilespmem:s0+$0x1F0] =	vst v17  }
0x1cc: {  	[tilespmem:s0+$0xFFFFFE60] =	vst v10;
	v9 =	vld.idx.msk [tilespmem:v11+s5+$0x0], $0xffff  }
0x1cd: {  	[tilespmem:s0+$0xFFFFFEE0] =	vst v12;
	v10 =	vld.idx.msk [tilespmem:v16+s5+$0x0], $0xffff  }
0x1ce: {  	v11 =	vld.idx.msk [tilespmem:v13+s5+$0x0], $0xffff;
	[tilespmem:s0+$0x70] =	vst v15  }
0x1cf: {  	s29 =	sadd.s32 $0x1, s29;
	[tilespmem:s0+$0xFFFFFF70] =	vst v8  }
0x1d0: {  	s30 =	sshll.u32 s29, $0x6;
	s1 =	rddreg [dreg:$0x4]  }
0x1d1: {  	[tilespmem:s0+$0x170] =	vst v9;
	s31 =	sor.u32 s1, s30  }
0x1d2: {  	[tilespmem:s0+$0xFFFFFE70] =	vst v10;
	s1 =	smin.u32 s31, $0x4F57  }
0x1d3: {  	s16 =	rddreg [dreg:$0x2];
	s21 =	simm.s32 $0x2000;
	[tilespmem:s0+$0xFFFFFEF0] =	vst v11;
	s1 =	sshll.u32 s1, $0x9  }
0x1d4: {  	s2 =	simm.s32 $0x0;
	s23 =	rddreg [dreg:$0xb];
	s0 =	sadd.s32 s16, s1  }
0x1d5: {  	[hbm4b:s0+s2] =	stream.linear.scatter [tilespmem:s21], [sflag:$0x3], $0x1000, $0x38;
	[tilespmem:$0x4000] =	vst v63  }
0x1d6: {  	s0 =	sadd.s32 s23, s30  }
0x1d7: {  	s0 =	smin.u32 s0, $0x4F57  }
0x1d8: {  	s0 =	sshll.u32 s0, $0x7  }
0x1d9: {  	s0 =	sadd.s32 s13, s0  }
0x1da: {  	[tilespmem:s2], [sflag:$0x1] =	stream.strided.gather [hbm4b:s0+s17], $0x1000, s18, s17, $0x38;
	[tilespmem:$0x4000] =	vst v63  }
0x1db: {  	s26 =	simm.s32 $0x14;
	_ =	swait.ge [sflag:s22], $0x1000  }
0x1dc: {  	v8 =	vor.u32 s26, v0;
	[sflag:s22] =	ssyncset.done $0x0  }
0x1dd: {  	[sflag:s22] =	ssyncadd.s32 $0xFFFFF000  }
0x1de: {  	_ =	swait.ge [sflag:s25], $0x1000  }
0x1df: {  	s12 =	simm.s32 $0xC;
	[sflag:s25] =	ssyncset.done $0x0  }
0x1e0: {  	v10 =	vor.u32 s12, v0;
	[sflag:s25] =	ssyncadd.s32 $0xFFFFF000  }
0x1e1: {  	v11 =	vor.u32 s2, v0;
	v8 =	vld.idx.msk [tilespmem:v8+s19+$0x0], $0xffff  }
0x1e2: {  	s3 =	simm.s32 $0x18;
	v9 =	vor.u32 s26, v1  }
0x1e3: {  	v12 =	vor.u32 s3, v0;
	_ =	sdelay $0x1  }
0x1e4: {  	s10 =	simm.s32 $0x1C;
	s0 =	simm.s32 $0x3200;
	v10 =	vld.idx.msk [tilespmem:v10+s19+$0x0], $0xffff  }
0x1e5: {  	v15 =	vor.u32 s10, v0;
	v11 =	vld.idx.msk [tilespmem:v11+s19+$0x0], $0xffff;
	[tilespmem:s0+$0x80] =	vst v8  }
0x1e6: {  	v16 =	vor.u32 s2, v1;
	v9 =	vld.idx.msk [tilespmem:v9+s19+$0x0], $0xffff  }
0x1e7: {  	v13 =	vor.u32 s26, v2;
	v12 =	vld.idx.msk [tilespmem:v12+s19+$0x0], $0xffff  }
0x1e8: {  	v14 =	vor.u32 s12, v1  }
0x1e9: {  	s8 =	simm.s32 $0x8;
	v17 =	vor.u32 s3, v1;
	[tilespmem:s0+$0xFFFFFF80] =	vst v10  }
0x1ea: {  	s9 =	simm.s32 $0x4;
	v8 =	vor.u32 s8, v0;
	[tilespmem:s0+$0xFFFFFE00] =	vst v11;
	v11 =	vld.idx.msk [tilespmem:v15+s19+$0x0], $0xffff  }
0x1eb: {  	s11 =	simm.s32 $0x10;
	v16 =	vld.idx.msk [tilespmem:v16+s19+$0x0], $0xffff;
	[tilespmem:s0+$0x90] =	vst v9;
	v9 =	vor.u32 s9, v0  }
0x1ec: {  	[tilespmem:s0+$0x100] =	vst v12;
	v12 =	vor.u32 s11, v0;
	v10 =	vld.idx.msk [tilespmem:v13+s19+$0x0], $0xffff  }
0x1ed: {  	v18 =	vor.u32 s10, v1;
	v13 =	vld.idx.msk [tilespmem:v14+s19+$0x0], $0xffff  }
0x1ee: {  	v15 =	vor.u32 s12, v2;
	v17 =	vld.idx.msk [tilespmem:v17+s19+$0x0], $0xffff  }
0x1ef: {  	v8 =	vld.idx.msk [tilespmem:v8+s19+$0x0], $0xffff;
	v14 =	vor.u32 s26, v3  }
0x1f0: {  	v19 =	vor.u32 s2, v2;
	[tilespmem:s0+$0x180] =	vst v11;
	v9 =	vld.idx.msk [tilespmem:v9+s19+$0x0], $0xffff  }
0x1f1: {  	v12 =	vld.idx.msk [tilespmem:v12+s19+$0x0], $0xffff;
	[tilespmem:s0+$0xA0] =	vst v10;
	v10 =	vor.u32 s9, v1  }
0x1f2: {  	v18 =	vld.idx.msk [tilespmem:v18+s19+$0x0], $0xffff;
	[tilespmem:s0+$0xFFFFFF90] =	vst v13;
	v13 =	vor.u32 s8, v1  }
0x1f3: {  	v20 =	vor.u32 s10, v2;
	[tilespmem:s0+$0xFFFFFE10] =	vst v16;
	v11 =	vld.idx.msk [tilespmem:v15+s19+$0x0], $0xffff  }
0x1f4: {  	[tilespmem:s0+$0xFFFFFF00] =	vst v8;
	v14 =	vld.idx.msk [tilespmem:v14+s19+$0x0], $0xffff;
	v15 =	vor.u32 s12, v3  }
0x1f5: {  	v16 =	vor.u32 s26, v4;
	[tilespmem:s0+$0xFFFFFE80] =	vst v9;
	v9 =	vld.idx.msk [tilespmem:v19+s19+$0x0], $0xffff  }
0x1f6: {  	[tilespmem:s0+$0x0] =	vst v12;
	v19 =	vor.u32 s11, v1;
	v8 =	vld.idx.msk [tilespmem:v10+s19+$0x0], $0xffff  }
0x1f7: {  	[tilespmem:s0+$0x190] =	vst v18;
	v10 =	vld.idx.msk [tilespmem:v13+s19+$0x0], $0xffff;
	v13 =	vor.u32 s2, v3  }
0x1f8: {  	v12 =	vld.idx.msk [tilespmem:v20+s19+$0x0], $0xffff;
	[tilespmem:s0+$0xFFFFFFA0] =	vst v11;
	v11 =	vor.u32 s3, v2  }
0x1f9: {  	[tilespmem:s0+$0xB0] =	vst v14;
	v14 =	vld.idx.msk [tilespmem:v15+s19+$0x0], $0xffff;
	v15 =	vor.u32 s8, v2  }
0x1fa: {  	v18 =	vor.u32 s12, v4;
	v16 =	vld.idx.msk [tilespmem:v16+s19+$0x0], $0xffff  }
0x1fb: {  	v20 =	vor.u32 s26, v5;
	v19 =	vld.idx.msk [tilespmem:v19+s19+$0x0], $0xffff;
	[tilespmem:s0+$0xFFFFFE20] =	vst v9  }
0x1fc: {  	[tilespmem:s0+$0x110] =	vst v17;
	v17 =	vor.u32 s10, v3;
	v13 =	vld.idx.msk [tilespmem:v13+s19+$0x0], $0xffff  }
0x1fd: {  	v21 =	vor.u32 s11, v2;
	[tilespmem:s0+$0xFFFFFF10] =	vst v10;
	v11 =	vld.idx.msk [tilespmem:v11+s19+$0x0], $0xffff  }
0x1fe: {  	v10 =	vor.u32 s3, v3;
	v9 =	vld.idx.msk [tilespmem:v15+s19+$0x0], $0xffff;
	[tilespmem:s0+$0xFFFFFFB0] =	vst v14  }
0x1ff: {  	v14 =	vor.u32 s2, v4;
	[tilespmem:s0+$0xC0] =	vst v16;
	v15 =	vld.idx.msk [tilespmem:v18+s19+$0x0], $0xffff  }
0x200: {  	[tilespmem:s0+$0x1A0] =	vst v12;
	v18 =	vld.idx.msk [tilespmem:v20+s19+$0x0], $0xffff;
	v20 =	vor.u32 s12, v5  }
0x201: {  	v16 =	vor.u32 s9, v2;
	[tilespmem:s0+$0x10] =	vst v19;
	v19 =	vld.idx.msk [tilespmem:v17+s19+$0x0], $0xffff  }
0x202: {  	v22 =	vor.u32 s26, v6;
	v21 =	vld.idx.msk [tilespmem:v21+s19+$0x0], $0xffff;
	[tilespmem:s0+$0x120] =	vst v11  }
0x203: {  	v23 =	vor.u32 s10, v4;
	[tilespmem:s0+$0xFFFFFE30] =	vst v13;
	v13 =	vld.idx.msk [tilespmem:v10+s19+$0x0], $0xffff  }
0x204: {  	v11 =	vor.u32 s11, v3;
	v12 =	vld.idx.msk [tilespmem:v14+s19+$0x0], $0xffff;
	[tilespmem:s0+$0xFFFFFFC0] =	vst v15  }
0x205: {  	[tilespmem:s0+$0xFFFFFE90] =	vst v8;
	v15 =	vld.idx.msk [tilespmem:v20+s19+$0x0], $0xffff;
	v20 =	vor.u32 s8, v3  }
0x206: {  	v14 =	vld.idx.msk [tilespmem:v16+s19+$0x0], $0xffff;
	[tilespmem:s0+$0xD0] =	vst v18  }
0x207: {  	s14 =	smov.u32 s13;
	v8 =	vor.u32 s26, v7;
	v17 =	vor.u32 s9, v3;
	v16 =	vld.idx.msk [tilespmem:v22+s19+$0x0], $0xffff;
	[tilespmem:s0+$0x1B0] =	vst v19  }
0x208: {  	s15 =	simm.s32 $0x0;
	s7 =	simm.s32 $0x3600;
	s16 =	simm.s32 $0x20;
	v10 =	vor.u32 s11, v4;
	v18 =	vor.u32 s12, v6;
	[tilespmem:s0+$0x20] =	vst v21;
	v19 =	vld.idx.msk [tilespmem:v23+s19+$0x0], $0xffff  }
.LBB2_9:
0x209: {  	v21 =	vor.u32 s16, v0;
	s21 =	sadd.s32 $0x4, s16;
	s4 =	sadd.s32 $0x10, s16;
	s23 =	sadd.s32 $0x18, s16;
	[tilespmem:s0+$0xFFFFFF20] =	vst v9;
	v22 =	vld.idx.msk [tilespmem:v11+s19+$0x0], $0xffff;
	v23 =	vor.u32 s10, v5  }
0x20a: {  	s1 =	sadd.s32 $0x8, s16;
	s26 =	sadd.s32 $0x14, s16;
	s6 =	sadd.s32 $0x1C, s16;
	v11 =	vor.u32 s21, v0;
	v9 =	vor.u32 s4, v0;
	v24 =	vor.u32 s23, v0;
	v20 =	vld.idx.msk [tilespmem:v20+s19+$0x0], $0xffff  }
0x20b: {  	s13 =	sadd.s32 $0xC, s16;
	s15 =	sadd.s32 $0x8, s15;
	v25 =	vor.u32 s1, v0;
	v26 =	vor.u32 s26, v0;
	v27 =	vor.u32 s6, v0;
	[tilespmem:s0+$0xFFFFFEA0] =	vst v14  }
0x20c: {  	v28 =	vor.u32 s26, v7;
	p1 =	slt.u32 s15, $0x18;
	v14 =	vor.u32 s13, v0;
	v17 =	vld.idx.msk [tilespmem:v17+s19+$0x0], $0xffff;
	[tilespmem:s0+$0xFFFFFFD0] =	vst v15  }
0x20d: {  	v29 =	vor.u32 s8, v4;
	v18 =	vld.idx.msk [tilespmem:v18+s19+$0x0], $0xffff;
	[tilespmem:s0+$0xE0] =	vst v16  }
0x20e: {  	v30 =	vor.u32 s9, v4;
	v31 =	vld.idx.msk [tilespmem:v8+s19+$0x0], $0xffff;
	[tilespmem:s0+$0x1C0] =	vst v19;
	v8 =	vmov v28  }
0x20f: {  	v19 =	vld.idx.msk [tilespmem:v21+s19+$0x0], $0xffff;
	v21 =	vor.u32 s12, v7;
	[tilespmem:s0+$0x30] =	vst v22;
	s12 =	smov.u32 s13  }
0x210: {  	v22 =	vor.u32 s16, v1;
	[tilespmem:s0+$0xFFFFFF30] =	vst v20;
	v20 =	vld.idx.msk [tilespmem:v23+s19+$0x0], $0xffff  }
0x211: {  	v15 =	vor.u32 s21, v1;
	[tilespmem:s0+$0xFFFFFE40] =	vst v12;
	v10 =	vld.idx.msk [tilespmem:v10+s19+$0x0], $0xffff  }
0x212: {  	v16 =	vor.u32 s6, v1;
	[tilespmem:s0+$0xFFFFFEB0] =	vst v17;
	v23 =	vld.idx.msk [tilespmem:v29+s19+$0x0], $0xffff  }
0x213: {  	v12 =	vor.u32 s4, v1;
	v28 =	vld.idx.msk [tilespmem:v30+s19+$0x0], $0xffff;
	[tilespmem:s0+$0xFFFFFFE0] =	vst v18;
	v18 =	vor.u32 s11, v5  }
0x214: {  	v29 =	vor.u32 s26, v1;
	v21 =	vld.idx.msk [tilespmem:v21+s19+$0x0], $0xffff;
	[tilespmem:s0+$0xF0] =	vst v31  }
0x215: {  	[tilespmem:s7+$0xFFFFFE00] =	vst v19;
	v19 =	vld.idx.msk [tilespmem:v26+s19+$0x0], $0xffff;
	v26 =	vor.u32 s8, v5  }
0x216: {  	v17 =	vor.u32 s1, v1;
	v30 =	vor.u32 s3, v4;
	v25 =	vld.idx.msk [tilespmem:v25+s19+$0x0], $0xffff;
	[tilespmem:s0+$0x1D0] =	vst v20  }
0x217: {  	v31 =	vor.u32 s10, v6;
	v20 =	vor.u32 s12, v1;
	v27 =	vld.idx.msk [tilespmem:v27+s19+$0x0], $0xffff;
	[tilespmem:s0+$0x40] =	vst v10  }
0x218: {  	v32 =	vor.u32 s16, v2;
	v10 =	vor.u32 s21, v2;
	[tilespmem:s0+$0xFFFFFF40] =	vst v23;
	v23 =	vld.idx.msk [tilespmem:v18+s19+$0x0], $0xffff  }
0x219: {  	v18 =	vor.u32 s6, v2;
	v33 =	vld.idx.msk [tilespmem:v14+s19+$0x0], $0xffff;
	[tilespmem:s0+$0xFFFFFEC0] =	vst v28  }
0x21a: {  	v14 =	vor.u32 s4, v2;
	v28 =	vor.u32 s2, v5;
	v26 =	vld.idx.msk [tilespmem:v26+s19+$0x0], $0xffff;
	[tilespmem:s0+$0x130] =	vst v13  }
0x21b: {  	v34 =	vor.u32 s9, v5;
	[tilespmem:s7+$0x80] =	vst v19;
	v19 =	vor.u32 s26, v2;
	v30 =	vld.idx.msk [tilespmem:v30+s19+$0x0], $0xffff  }
0x21c: {  	v35 =	vor.u32 s23, v1;
	[tilespmem:s0+$0xFFFFFFF0] =	vst v21;
	v21 =	vor.u32 s11, v6;
	v31 =	vld.idx.msk [tilespmem:v31+s19+$0x0], $0xffff  }
0x21d: {  	v13 =	vor.u32 s1, v2;
	v24 =	vld.idx.msk [tilespmem:v24+s19+$0x0], $0xffff;
	[tilespmem:s7+$0x180] =	vst v27;
	v27 =	vor.u32 s3, v5  }
0x21e: {  	v36 =	vor.u32 s12, v2;
	v29 =	vld.idx.msk [tilespmem:v29+s19+$0x0], $0xffff;
	[tilespmem:s0+$0x50] =	vst v23;
	v23 =	vor.u32 s10, v7;
	s10 =	smov.u32 s6  }
0x21f: {  	[tilespmem:s7+$0xFFFFFF00] =	vst v25;
	v25 =	vld.idx.msk [tilespmem:v28+s19+$0x0], $0xffff;
	v28 =	vor.u32 s8, v6  }
0x220: {  	v34 =	vld.idx.msk [tilespmem:v34+s19+$0x0], $0xffff;
	[tilespmem:s0+$0xFFFFFF50] =	vst v26  }
0x221: {  	v21 =	vld.idx.msk [tilespmem:v21+s19+$0x0], $0xffff;
	[tilespmem:s0+$0x140] =	vst v30  }
0x222: {  	v26 =	vor.u32 s2, v6;
	v27 =	vld.idx.msk [tilespmem:v27+s19+$0x0], $0xffff;
	[tilespmem:s0+$0x1E0] =	vst v31  }
0x223: {  	v30 =	vor.u32 s9, v6;
	[tilespmem:s7+$0xFFFFFF80] =	vst v33;
	v23 =	vld.idx.msk [tilespmem:v23+s19+$0x0], $0xffff  }
0x224: {  	[tilespmem:s7+$0x90] =	vst v29;
	v28 =	vld.idx.msk [tilespmem:v28+s19+$0x0], $0xffff  }
0x225: {  	v19 =	vld.idx.msk [tilespmem:v19+s19+$0x0], $0xffff;
	[tilespmem:s0+$0xFFFFFE50] =	vst v25;
	v25 =	vor.u32 s3, v6  }
0x226: {  	v29 =	vor.u32 s11, v7;
	s11 =	smov.u32 s4;
	v22 =	vld.idx.msk [tilespmem:v22+s19+$0x0], $0xffff;
	[tilespmem:s0+$0xFFFFFED0] =	vst v34  }
0x227: {  	v26 =	vld.idx.msk [tilespmem:v26+s19+$0x0], $0xffff;
	[tilespmem:s0+$0x60] =	vst v21  }
0x228: {  	v21 =	vld.idx.msk [tilespmem:v30+s19+$0x0], $0xffff;
	v30 =	vor.u32 s8, v7;
	[tilespmem:s0+$0x150] =	vst v27;
	s8 =	smov.u32 s1  }
0x229: {  	v27 =	vor.u32 s26, v3;
	v20 =	vld.idx.msk [tilespmem:v20+s19+$0x0], $0xffff;
	[tilespmem:s0+$0x1F0] =	vst v23  }
0x22a: {  	[tilespmem:s7+$0x100] =	vst v24;
	v23 =	vld.idx.msk [tilespmem:v25+s19+$0x0], $0xffff  }
0x22b: {  	[tilespmem:s7+$0xA0] =	vst v19;
	v19 =	vld.idx.msk [tilespmem:v29+s19+$0x0], $0xffff  }
0x22c: {  	v25 =	vor.u32 s3, v7;
	s3 =	smov.u32 s23;
	v24 =	vld.idx.msk [tilespmem:v35+s19+$0x0], $0xffff;
	[tilespmem:s0+$0xFFFFFF60] =	vst v28  }
0x22d: {  	v28 =	vor.u32 s9, v7;
	s9 =	smov.u32 s21;
	[tilespmem:s7+$0xFFFFFE10] =	vst v22;
	v22 =	vor.u32 s2, v7;
	v29 =	vld.idx.msk [tilespmem:v30+s19+$0x0], $0xffff;
	s2 =	smov.u32 s16  }
0x22e: {  	v27 =	vld.idx.msk [tilespmem:v27+s19+$0x0], $0xffff;
	[tilespmem:s0+$0xFFFFFEE0] =	vst v21  }
0x22f: {  	v11 =	vld.idx.msk [tilespmem:v11+s19+$0x0], $0xffff;
	[tilespmem:s7+$0xFFFFFF90] =	vst v20  }
0x230: {  	v20 =	vld.idx.msk [tilespmem:v36+s19+$0x0], $0xffff;
	[tilespmem:s0+$0x160] =	vst v23  }
0x231: {  	[tilespmem:s0+$0xFFFFFE60] =	vst v26;
	v21 =	vld.idx.msk [tilespmem:v25+s19+$0x0], $0xffff  }
0x232: {  	v22 =	vld.idx.msk [tilespmem:v22+s19+$0x0], $0xffff;
	[tilespmem:s0+$0x70] =	vst v19  }
0x233: {  	v19 =	vld.idx.msk [tilespmem:v28+s19+$0x0], $0xffff;
	[tilespmem:s0+$0xFFFFFF70] =	vst v29  }
0x234: {  	v23 =	vor.u32 s12, v3;
	[tilespmem:s7+$0xB0] =	vst v27;
	v16 =	vld.idx.msk [tilespmem:v16+s19+$0x0], $0xffff  }
0x235: {  	[tilespmem:s7+$0xFFFFFE80] =	vst v11;
	v9 =	vld.idx.msk [tilespmem:v9+s19+$0x0], $0xffff;
	v11 =	vor.u32 s26, v4  }
0x236: {  	v25 =	vld.idx.msk [tilespmem:v32+s19+$0x0], $0xffff;
	[tilespmem:s7+$0xFFFFFFA0] =	vst v20  }
0x237: {  	v15 =	vld.idx.msk [tilespmem:v15+s19+$0x0], $0xffff;
	[tilespmem:s0+$0x170] =	vst v21  }
0x238: {  	v20 =	vor.u32 s3, v2;
	v17 =	vld.idx.msk [tilespmem:v17+s19+$0x0], $0xffff;
	[tilespmem:s0+$0xFFFFFE70] =	vst v22  }
0x239: {  	v21 =	vor.u32 s16, v3;
	v22 =	vld.idx.msk [tilespmem:v23+s19+$0x0], $0xffff;
	[tilespmem:s0+$0xFFFFFEF0] =	vst v19;
	s0 =	smov.u32 s7  }
0x23a: {  	v11 =	vld.idx.msk [tilespmem:v11+s19+$0x0], $0xffff;
	[tilespmem:s7+$0x190] =	vst v16  }
0x23b: {  	v16 =	vor.u32 s12, v4;
	[tilespmem:s7+$0x0] =	vst v9;
	v18 =	vld.idx.msk [tilespmem:v18+s19+$0x0], $0xffff  }
0x23c: {  	v19 =	vor.u32 s26, v5;
	v12 =	vld.idx.msk [tilespmem:v12+s19+$0x0], $0xffff;
	[tilespmem:s7+$0x110] =	vst v24  }
0x23d: {  	v23 =	vor.u32 s10, v3;
	[tilespmem:s7+$0xFFFFFE20] =	vst v25;
	v20 =	vld.idx.msk [tilespmem:v20+s19+$0x0], $0xffff  }
0x23e: {  	v21 =	vld.idx.msk [tilespmem:v21+s19+$0x0], $0xffff;
	[tilespmem:s7+$0xFFFFFF10] =	vst v17  }
0x23f: {  	v9 =	vld.idx.msk [tilespmem:v13+s19+$0x0], $0xffff;
	[tilespmem:s7+$0xFFFFFFB0] =	vst v22;
	v13 =	vor.u32 s3, v3  }
0x240: {  	v17 =	vor.u32 s16, v4;
	v16 =	vld.idx.msk [tilespmem:v16+s19+$0x0], $0xffff;
	[tilespmem:s7+$0xC0] =	vst v11  }
0x241: {  	v19 =	vld.idx.msk [tilespmem:v19+s19+$0x0], $0xffff;
	[tilespmem:s7+$0x1A0] =	vst v18  }
0x242: {  	v18 =	vor.u32 s12, v5;
	[tilespmem:s7+$0x10] =	vst v12;
	v22 =	vld.idx.msk [tilespmem:v23+s19+$0x0], $0xffff  }
0x243: {  	v24 =	vor.u32 s26, v6;
	v23 =	vld.idx.msk [tilespmem:v14+s19+$0x0], $0xffff;
	[tilespmem:s7+$0x120] =	vst v20  }
0x244: {  	[tilespmem:s7+$0xFFFFFE30] =	vst v21;
	v13 =	vld.idx.msk [tilespmem:v13+s19+$0x0], $0xffff;
	v21 =	vor.u32 s10, v4  }
.Ltmp3:
0x245: {  	v11 =	vor.u32 s11, v3;
	v12 =	vld.idx.msk [tilespmem:v17+s19+$0x0], $0xffff;
	[tilespmem:s7+$0xFFFFFE90] =	vst v15;
	(pc) =	sbr.rel @p1 .LBB2_9-.Ltmp3, $4  }
0x246: {  	v20 =	vor.u32 s8, v3;
	v14 =	vld.idx.msk [tilespmem:v10+s19+$0x0], $0xffff;
	[tilespmem:s7+$0xFFFFFFC0] =	vst v16  }
0x247: {  	v15 =	vld.idx.msk [tilespmem:v18+s19+$0x0], $0xffff;
	[tilespmem:s7+$0xD0] =	vst v19  }
0x248: {  	v17 =	vor.u32 s9, v3;
	v16 =	vld.idx.msk [tilespmem:v24+s19+$0x0], $0xffff;
	[tilespmem:s7+$0x1B0] =	vst v22  }
0x249: {  	s16 =	sadd.s32 $0x20, s16;
	v10 =	vor.u32 s11, v4;
	v18 =	vor.u32 s12, v6;
	s7 =	sadd.s32 $0x400, s7;
	[tilespmem:s0+$0x20] =	vst v23;
	v19 =	vld.idx.msk [tilespmem:v21+s19+$0x0], $0xffff  }
0x24a: {  	_ =	sdelay $0x1  }
0x24b: {  	[tilespmem:s0+$0xFFFFFF20] =	vst v9  }
0x24c: {  	[tilespmem:s0+$0xFFFFFE40] =	vst v12  }
0x24d: {  	v31 =	vld.idx.msk [tilespmem:v11+s19+$0x0], $0xffff;
	v35 =	vor.u32 s3, v4;
	[tilespmem:s0+$0x130] =	vst v13  }
0x24e: {  	v32 =	vld.idx.msk [tilespmem:v20+s19+$0x0], $0xffff;
	[tilespmem:s0+$0xFFFFFEA0] =	vst v14  }
0x24f: {  	v33 =	vor.u32 s8, v4;
	[tilespmem:s0+$0xFFFFFFD0] =	vst v15;
	v34 =	vld.idx.msk [tilespmem:v17+s19+$0x0], $0xffff  }
0x250: {  	v36 =	vor.u32 s10, v5;
	[tilespmem:s0+$0xE0] =	vst v16;
	v18 =	vld.idx.msk [tilespmem:v18+s19+$0x0], $0xffff  }
0x251: {  	v37 =	vor.u32 s9, v4;
	[tilespmem:s0+$0x1C0] =	vst v19;
	v8 =	vld.idx.msk [tilespmem:v8+s19+$0x0], $0xffff  }
0x252: {  	v38 =	vor.u32 s12, v7;
	[tilespmem:s0+$0x30] =	vst v31;
	v42 =	vld.idx.msk [tilespmem:v35+s19+$0x0], $0xffff  }
0x253: {  	v44 =	vor.u32 s3, v5;
	[tilespmem:s0+$0xFFFFFF30] =	vst v32;
	v10 =	vld.idx.msk [tilespmem:v10+s19+$0x0], $0xffff  }
0x254: {  	v40 =	vor.u32 s11, v5;
	v39 =	vld.idx.msk [tilespmem:v33+s19+$0x0], $0xffff;
	[tilespmem:s0+$0xFFFFFEB0] =	vst v34  }
0x255: {  	v41 =	vor.u32 s8, v5;
	v43 =	vld.idx.msk [tilespmem:v36+s19+$0x0], $0xffff;
	[tilespmem:s0+$0xFFFFFFE0] =	vst v18  }
0x256: {  	v9 =	vld.idx.msk [tilespmem:v37+s19+$0x0], $0xffff;
	[tilespmem:s0+$0xF0] =	vst v8;
	v8 =	vor.u32 s2, v5  }
0x257: {  	v45 =	vor.u32 s9, v5;
	v11 =	vld.idx.msk [tilespmem:v38+s19+$0x0], $0xffff;
	[tilespmem:s0+$0x140] =	vst v42  }
0x258: {  	v46 =	vor.u32 s10, v6;
	[tilespmem:s0+$0x40] =	vst v10;
	v50 =	vld.idx.msk [tilespmem:v44+s19+$0x0], $0xffff  }
0x259: {  	v51 =	vor.u32 s3, v6;
	[tilespmem:s0+$0xFFFFFF40] =	vst v39;
	v47 =	vld.idx.msk [tilespmem:v40+s19+$0x0], $0xffff  }
0x25a: {  	v48 =	vor.u32 s11, v6;
	[tilespmem:s0+$0x1D0] =	vst v43;
	v13 =	vld.idx.msk [tilespmem:v41+s19+$0x0], $0xffff  }
0x25b: {  	v49 =	vor.u32 s8, v6;
	[tilespmem:s0+$0xFFFFFEC0] =	vst v9;
	v8 =	vld.idx.msk [tilespmem:v8+s19+$0x0], $0xffff  }
0x25c: {  	v52 =	vor.u32 s2, v6;
	[tilespmem:s0+$0xFFFFFFF0] =	vst v11;
	v10 =	vld.idx.msk [tilespmem:v45+s19+$0x0], $0xffff  }
0x25d: {  	v54 =	vor.u32 s9, v6;
	v53 =	vld.idx.msk [tilespmem:v46+s19+$0x0], $0xffff;
	[tilespmem:s0+$0x150] =	vst v50  }
0x25e: {  	v55 =	vor.u32 s10, v7;
	[tilespmem:s0+$0x50] =	vst v47;
	v9 =	vld.idx.msk [tilespmem:v51+s19+$0x0], $0xffff  }
0x25f: {  	v60 =	vor.u32 s3, v7;
	[tilespmem:s0+$0xFFFFFF50] =	vst v13;
	v56 =	vld.idx.msk [tilespmem:v48+s19+$0x0], $0xffff  }
0x260: {  	v58 =	vor.u32 s11, v7;
	v57 =	vld.idx.msk [tilespmem:v49+s19+$0x0], $0xffff;
	[tilespmem:s0+$0xFFFFFE50] =	vst v8  }
0x261: {  	v8 =	vor.u32 s8, v7;
	[tilespmem:s0+$0xFFFFFED0] =	vst v10;
	v59 =	vld.idx.msk [tilespmem:v52+s19+$0x0], $0xffff  }
0x262: {  	v61 =	vor.u32 s2, v7;
	[tilespmem:s0+$0x1E0] =	vst v53;
	v12 =	vld.idx.msk [tilespmem:v54+s19+$0x0], $0xffff  }
0x263: {  	v62 =	vor.u32 s9, v7;
	v17 =	vld.idx.msk [tilespmem:v55+s19+$0x0], $0xffff;
	[tilespmem:s0+$0x160] =	vst v9  }
0x264: {  	[tilespmem:s0+$0x60] =	vst v56;
	v9 =	vld.idx.msk [tilespmem:v60+s19+$0x0], $0xffff  }
0x265: {  	v15 =	vld.idx.msk [tilespmem:v58+s19+$0x0], $0xffff;
	[tilespmem:s0+$0xFFFFFF60] =	vst v57  }
0x266: {  	v8 =	vld.idx.msk [tilespmem:v8+s19+$0x0], $0xffff;
	[tilespmem:s0+$0xFFFFFE60] =	vst v59  }
0x267: {  	[tilespmem:s0+$0xFFFFFEE0] =	vst v12;
	v10 =	vld.idx.msk [tilespmem:v61+s19+$0x0], $0xffff  }
0x268: {  	[tilespmem:s0+$0x1F0] =	vst v17;
	v63 =	vld.idx.msk [tilespmem:v62+s19+$0x0], $0xffff  }
0x269: {  	[tilespmem:s0+$0x170] =	vst v9  }
0x26a: {  	s1 =	sor.u32 $0x20, s31;
	[tilespmem:s0+$0x70] =	vst v15  }
0x26b: {  	s1 =	smin.u32 s1, $0x4F57;
	[tilespmem:s0+$0xFFFFFF70] =	vst v8  }
0x26c: {  	s23 =	rddreg [dreg:$0x2];
	s1 =	sshll.u32 s1, $0x9;
	[tilespmem:s0+$0xFFFFFE70] =	vst v10  }
0x26d: {  	s26 =	simm.s32 $0x3000;
	[tilespmem:s0+$0xFFFFFEF0] =	vst v63;
	s0 =	sadd.s32 s23, s1  }
0x26e: {  	[hbm4b:s0+s5] =	stream.linear.scatter [tilespmem:s26], [sflag:$0x4], $0x1000, $0x38;
	[tilespmem:$0x4000] =	vst v63  }
0x26f: {  	p1 =	sne.s32 s29, $0x13D;
	s31 =	rddreg [dreg:$0xc]  }
.Ltmp4:
0x270: {  	s0 =	sadd.s32 s31, s30;
	(pc) =	sbr.rel @p1 .LBB2_6-.Ltmp4, $4  }
0x271: {  	s0 =	smin.u32 s0, $0x4F57  }
0x272: {  	s0 =	sshll.u32 s0, $0x7  }
0x273: {  	s13 =	smov.u32 s14;
	s0 =	sadd.s32 s14, s0  }
0x274: {  	[tilespmem:s19], [sflag:$0x2] =	stream.strided.gather [hbm4b:s0+s17], $0x1000, s18, s17, $0x38;
	[tilespmem:$0x4000] =	vst v63  }
0x275: {  	_ =	swait.ge [sflag:s20], $0x1000  }
0x276: {  	[sflag:s20] =	ssyncset.done $0x0  }
0x277: {  	[sflag:s20] =	ssyncadd.s32 $0xFFFFF000  }
0x278: {  	_ =	swait.ge [sflag:s24], $0x1000  }
0x279: {  	[sflag:s24] =	ssyncset.done $0x0  }
0x27a: {  	[sflag:s24] =	ssyncadd.s32 $0xFFFFF000  }
0x27b: {  	_ =	swait.ge [sflag:s22], $0x1000  }
0x27c: {  	[sflag:s22] =	ssyncset.done $0x0  }
0x27d: {  	[sflag:s22] =	ssyncadd.s32 $0xFFFFF000  }
0x27e: {  	_ =	swait.ge [sflag:s25], $0x1000  }
0x27f: {  	s0 =	stileid.u32;
	[sflag:s25] =	ssyncset.done $0x0  }
0x280: {  	s0 =	sshll.u32 @!p0 s0, $0x6;
	s2 =	rddreg [dreg:$0xd];
	[sflag:s25] =	ssyncadd.s32 $0xFFFFF000  }
0x281: {  	s0 =	sor.u32 @!p0 $0x1C05, s0;
	s1 =	rddreg [dreg:$0x1]  }
0x282: {  	[hbm:s2], [sflag:s0] =	dma.local @!p0 [hbm:s1], $0x100  }
0x283: {  	s0 =	simm.s32 @!p0 $0x5  }
0x284: {  	_ =	swait.ge @!p0 [sflag:s0], $0x100  }
0x285: {  	s30 =	rddreg [dreg:$0xf]  }
0x286: {  	s31 =	rddreg [dreg:$0xe];
	s2 =	sadd.s32 $0x1, s30  }
0x287: {  	p1 =	sne.s32 s2, s31  }
.Ltmp5:
0x288: {  	_ = 	snop;
	(pc) =	sbr.rel @p1 .LBB2_1-.Ltmp5, $3  }
0x289: {  	_ =	sdelay $0x1  }
0x28a: {  	[sflag:s0] =	ssyncset.done @!p0 $0x0  }
0x28b: {  	[sflag:s0] =	ssyncadd.s32 @!p0 $0xFFFFFF00  }
0x28c: {  	_ =	sfence.sel $0x180000  }
0x28d: {  	[bflag:$0x0] =	sbarrier.arrive $0xFFFF  }
0x28e: {  	_ =	strace $0x90000047  }
0x28f: {  	s0 =	stileid.u32;
	[bflag:$0x2] =	sbarrier.arrive $0xFFFF  }
0x290: {  	p0 =	sne.s32 s0, $0x0;
	s0 =	rddreg [dreg:$0x3]  }
0x291: {  	s0 =	sadd.s32 @!p0 $0x100000, s0  }
0x292: {  	[sflag:s0] =	ssyncadd.tile.s32 @!p0 $0x1;
	_ =	shalt  }
.Lfunc_end2:
_tile_overlayer_lowered:
.L_overlay_start_2:
0x293: {  	(tag) =	ssettag $0x2  }
0x294: {  	s0 =	rddreg [dreg:$0x0];
	s2 =	stileid.u32  }
0x295: {  	s1 =	rddreg [dreg:$0x1];
	p0 =	sne.s32 s2, $0x0  }
0x296: {  	s3 =	rddreg [dreg:$0x2];
	[bflag:$0x3] =	sbarrier.arrive $0xFFFF;
	s2 =	simm.s32 @!p0 $0x1C05  }
0x297: {  	[timem:s3], [sflag:s2] =	dma.local @!p0 [hbm:s0], s1  }
0x298: {  	s0 =	simm.s32 @!p0 $0x5  }
0x299: {  	_ =	swait.ge @!p0 [sflag:s0], s1  }
0x29a: {  	s1 =	ssub.s32 @!p0 $0x0, s1;
	[sflag:s0] =	ssyncset.done @!p0 $0x0  }
0x29b: {  	[sflag:s0] =	ssyncadd.s32 @!p0 s1  }
0x29c: {  	[bflag:$0x3] =	sbarrier.arrive $0xFFFF  }
0x29d: {  	_ =	shalt  }

</sc_bundles>
